<compile_context>
chip_gen: v7x
topology: tpu7x:2x2x1
jax: 0.10.2.dev20260603
libtpu: 0.0.44.dev20260713+nightly
codegen_flags: <defaults>
</compile_context>

<pallas_src>
import functools

import jax
import jax.numpy as jnp
from jax import lax
from jax.experimental import pallas as pl
from jax.experimental.pallas import tpu as pltpu
from jax.experimental.pallas import tpu_sc as plsc

N = 10000
NPAD = 10240
E = 160000
NW = 32
CH = 128
NCHUNK = 40
EPAD = NW * NCHUNK * CH
RPT = NPAD // 16
RB = 1024
GRID = NPAD // RB


@functools.cache
def _mesh():
    return plsc.VectorSubcoreMesh(
        core_axis_name="c", subcore_axis_name="s", num_cores=2, num_subcores=16)


def _sc_degree_body(col_hbm, ones_hbm, zeros_hbm, out_hbm, colv, onev, degs):
    cid = lax.axis_index("c")
    sid = lax.axis_index("s")
    wid = cid * 16 + sid
    sl = pl.ds(sid * RPT, RPT)
    pltpu.sync_copy(zeros_hbm.at[sl], degs.at[sl])
    pltpu.sync_copy(col_hbm.at[pl.ds(wid * NCHUNK, NCHUNK)], colv)
    pltpu.sync_copy(ones_hbm, onev)
    plsc.subcore_barrier()

    def body(j, carry):
        pltpu.sync_copy(onev, degs.at[colv.at[j]], add=True)
        return carry

    lax.fori_loop(0, NCHUNK, body, 0)
    plsc.subcore_barrier()
    pltpu.sync_copy(degs.at[sl], out_hbm.at[cid, sl])


@functools.cache
def _sc_degree_kernel():
    return pl.kernel(
        _sc_degree_body,
        out_type=jax.ShapeDtypeStruct((2, NPAD, 16), jnp.float32),
        mesh=_mesh(),
        scratch_types=[
            pltpu.VMEM((NCHUNK, CH), jnp.int32),
            pltpu.VMEM((CH, 16), jnp.float32),
            pltpu.VMEM_SHARED((NPAD, 16), jnp.float32),
        ],
    )


def _sc_degree(col, ones16, zeros16):
    return _sc_degree_kernel()(col, ones16, zeros16)


C0 = 56
C1 = 24
CMAX = max(C0, C1)


def _sc_aggregate_body(q_hbm, row_hbm, col_hbm, zeros_hbm, out_hbm,
                       rowv, colv, gbuf, aggs, sem):
    cid = lax.axis_index("c")
    sid = lax.axis_index("s")
    sl = pl.ds(sid * RPT, RPT)
    pltpu.sync_copy(zeros_hbm.at[sl], aggs.at[sl])

    start = jnp.where(cid == 0, sid * C0, 16 * C0 + sid * C1)
    start = pl.multiple_of(start, 8)
    pltpu.sync_copy(row_hbm.at[pl.ds(start, CMAX)], rowv)
    pltpu.sync_copy(col_hbm.at[pl.ds(start, CMAX)], colv)
    nc = jnp.where(cid == 0, C0, C1)
    plsc.subcore_barrier()

    def body(j, carry):
        pltpu.async_copy(q_hbm.at[rowv.at[j]], gbuf, sem).wait()
        pltpu.sync_copy(gbuf, aggs.at[colv.at[j]], add=True)
        return carry

    lax.fori_loop(0, nc, body, 0)
    plsc.subcore_barrier()
    pltpu.sync_copy(aggs.at[sl], out_hbm.at[cid, sl])


@functools.cache
def _sc_aggregate_kernel():
    return pl.kernel(
        _sc_aggregate_body,
        out_type=jax.ShapeDtypeStruct((2, NPAD, 128), jnp.float32),
        mesh=_mesh(),
        scratch_types=[
            pltpu.VMEM((CMAX, CH), jnp.int32),
            pltpu.VMEM((CMAX, CH), jnp.int32),
            pltpu.VMEM((CH, 128), jnp.float32),
            pltpu.VMEM_SHARED((NPAD, 128), jnp.float32),
            pltpu.SemaphoreType.DMA,
        ],
    )


def _sc_aggregate(q, row, col, zeros128):
    return _sc_aggregate_kernel()(q, row, col, zeros128)



_PREC = lax.Precision.HIGHEST


def _leaky(v):
    return jnp.where(v >= 0, v, 0.2 * v)


def _bn_coeffs(s_ref, ss_ref, g_ref, be_ref):
    m = s_ref[...] / N
    var = ss_ref[...] / N - m * m
    a = g_ref[...] * lax.rsqrt(var + 1e-5)
    c = be_ref[...] - m * a
    return a, c


def _row_mask(i, y):
    rowid = lax.broadcasted_iota(jnp.int32, (y.shape[0], 1), 0) + i * RB
    return jnp.where(rowid < N, y, 0.0)


def _accum_stats(i, y, s_ref, ss_ref):
    ym = _row_mask(i, y)
    s = jnp.sum(ym, axis=0)
    ss = jnp.sum(ym * ym, axis=0)

    @pl.when(i == 0)
    def _():
        s_ref[...] = s
        ss_ref[...] = ss

    @pl.when(i > 0)
    def _():
        s_ref[...] = s_ref[...] + s
        ss_ref[...] = ss_ref[...] + ss


def _mm1_body(x_ref, w_ref, b_ref, y_ref, s_ref, ss_ref):
    i = pl.program_id(0)
    y = jnp.dot(x_ref[...], w_ref[...], precision=_PREC,
                preferred_element_type=jnp.float32) + b_ref[...][None, :]
    y_ref[...] = y
    _accum_stats(i, y, s_ref, ss_ref)


def _mm2_body(y1_ref, s1_ref, ss1_ref, g1_ref, be1_ref, w2_ref, b2_ref,
              y2_ref, s2_ref, ss2_ref):
    i = pl.program_id(0)
    a, c = _bn_coeffs(s1_ref, ss1_ref, g1_ref, be1_ref)
    h = _leaky(y1_ref[...] * a[None, :] + c[None, :])
    y2 = jnp.dot(h, w2_ref[...], precision=_PREC,
                 preferred_element_type=jnp.float32) + b2_ref[...][None, :]
    y2_ref[...] = y2
    _accum_stats(i, y2, s2_ref, ss2_ref)


def _dinv_col(degp):
    dd = degp[0] + degp[1] + 1.0
    return lax.rsqrt(dd[:, :1])


def _mm3_body(y2_ref, s2_ref, ss2_ref, g2_ref, be2_ref, wc1_ref, degp_ref,
              q1_ref):
    a, c = _bn_coeffs(s2_ref, ss2_ref, g2_ref, be2_ref)
    h = _leaky(y2_ref[...] * a[None, :] + c[None, :])
    dinv = _dinv_col(degp_ref[...])
    q1_ref[...] = jnp.dot(h, wc1_ref[...], precision=_PREC,
                          preferred_element_type=jnp.float32) * dinv


def _relu_q2_body(sc1_ref, q1_ref, degp_ref, bc1_ref, q2_ref):
    dinv = _dinv_col(degp_ref[...])
    s = sc1_ref[0] + sc1_ref[1] + q1_ref[...]
    h1 = jnp.maximum(s * dinv + bc1_ref[...][None, :], 0.0)
    q2_ref[...] = h1 * dinv


def _final_body(sc2_ref, q2_ref, degp_ref, wmu_ref, bmu_ref, wls_ref,
                bls_ref, eps_ref, mu_ref, ls_ref, z_ref):
    dinv = _dinv_col(degp_ref[...])
    g = (sc2_ref[0] + sc2_ref[1] + q2_ref[...]) * dinv
    mu = jnp.dot(g, wmu_ref[...], precision=_PREC,
                 preferred_element_type=jnp.float32) + bmu_ref[...][None, :]
    ls = jnp.dot(g, wls_ref[...], precision=_PREC,
                 preferred_element_type=jnp.float32) + bls_ref[...][None, :]
    mu_ref[...] = mu
    ls_ref[...] = ls
    z_ref[...] = eps_ref[...] * jnp.exp(ls) + mu


def _full(shape):
    return pl.BlockSpec(shape, lambda i: tuple(0 for _ in shape))


def _rows(width):
    return pl.BlockSpec((RB, width), lambda i: (i, 0))


def _parts(width):
    return pl.BlockSpec((2, RB, width), lambda i: (0, i, 0))



def kernel(x, edge_index, W1, b1, g1, be1, W2, b2, g2, be2, Wc1, bc1,
           Wmu, bmu, Wls, bls, eps):
    f32 = jnp.float32
    x_pad = jnp.pad(x, ((0, NPAD - N), (0, 0)))
    eps_pad = jnp.pad(eps, ((0, NPAD - N), (0, 0)))
    pool_pad = (EPAD - E) + CMAX * CH
    row = jnp.concatenate(
        [edge_index[0], jnp.zeros((pool_pad,), jnp.int32)]).reshape(-1, CH)
    col = jnp.concatenate(
        [edge_index[1], jnp.full((pool_pad,), N, jnp.int32)]).reshape(-1, CH)
    zeros16 = jnp.zeros((NPAD, 16), f32)
    zeros128 = jnp.zeros((NPAD, 128), f32)
    ones16 = jnp.ones((CH, 16), f32)

    degp = _sc_degree(col, ones16, zeros16)

    y1, s1, ss1 = pl.pallas_call(
        _mm1_body,
        grid=(GRID,),
        in_specs=[_rows(128), _full((128, 1024)), _full((1024,))],
        out_specs=[_rows(1024), _full((1024,)), _full((1024,))],
        out_shape=[jax.ShapeDtypeStruct((NPAD, 1024), f32),
                   jax.ShapeDtypeStruct((1024,), f32),
                   jax.ShapeDtypeStruct((1024,), f32)],
    )(x_pad, W1, b1)

    y2, s2, ss2 = pl.pallas_call(
        _mm2_body,
        grid=(GRID,),
        in_specs=[_rows(1024), _full((1024,)), _full((1024,)),
                  _full((1024,)), _full((1024,)), _full((1024, 512)),
                  _full((512,))],
        out_specs=[_rows(512), _full((512,)), _full((512,))],
        out_shape=[jax.ShapeDtypeStruct((NPAD, 512), f32),
                   jax.ShapeDtypeStruct((512,), f32),
                   jax.ShapeDtypeStruct((512,), f32)],
    )(y1, s1, ss1, g1, be1, W2, b2)

    q1 = pl.pallas_call(
        _mm3_body,
        grid=(GRID,),
        in_specs=[_rows(512), _full((512,)), _full((512,)), _full((512,)),
                  _full((512,)), _full((512, 128)), _parts(16)],
        out_specs=_rows(128),
        out_shape=jax.ShapeDtypeStruct((NPAD, 128), f32),
    )(y2, s2, ss2, g2, be2, Wc1, degp)

    sc1 = _sc_aggregate(q1, row, col, zeros128)

    q2 = pl.pallas_call(
        _relu_q2_body,
        grid=(GRID,),
        in_specs=[_parts(128), _rows(128), _parts(16), _full((128,))],
        out_specs=_rows(128),
        out_shape=jax.ShapeDtypeStruct((NPAD, 128), f32),
    )(sc1, q1, degp, bc1)

    sc2 = _sc_aggregate(q2, row, col, zeros128)

    mu, ls, z = pl.pallas_call(
        _final_body,
        grid=(GRID,),
        in_specs=[_parts(128), _rows(128), _parts(16), _full((128, 64)),
                  _full((64,)), _full((128, 64)), _full((64,)), _rows(64)],
        out_specs=[_rows(64), _rows(64), _rows(64)],
        out_shape=[jax.ShapeDtypeStruct((NPAD, 64), f32),
                   jax.ShapeDtypeStruct((NPAD, 64), f32),
                   jax.ShapeDtypeStruct((NPAD, 64), f32)],
    )(sc2, q2, degp, Wmu, bmu, Wls, bls, eps_pad)

    return (mu[:N], ls[:N], z[:N])

# --- scband reference (transcript-rebuilt; emitter-appended) ---
"""Pipeline reference for scband-vgaeencoder-59081570123787 (READ-ONLY COPY).

The authoritative reference and input builder live on the scoring server;
editing this copy changes nothing except your own understanding.
"""

import jax, jax.numpy as jnp
import numpy as np

N = 10000
E = 160000
IN_CH = 128
HID = 128
LAT = 64

def _leaky(x):
    return jnp.where(x >= 0, x, 0.2 * x)

def _bn(x, g, b):
    m = jnp.mean(x, axis=0)
    v = jnp.var(x, axis=0)
    return (x - m) / jnp.sqrt(v + 1e-5) * g + b

def _gcn(x, edge_index, W, b):
    n = x.shape[0]
    h = x @ W
    sl = jnp.arange(n, dtype=edge_index.dtype)
    row = jnp.concatenate([edge_index[0], sl])
    col = jnp.concatenate([edge_index[1], sl])
    deg = jnp.zeros((n,), dtype=h.dtype).at[col].add(1.0)
    dinv = jnp.where(deg > 0, 1.0 / jnp.sqrt(deg), 0.0)
    norm = dinv[row] * dinv[col]
    msg = h[row] * norm[:, None]
    out = jnp.zeros((n, h.shape[1]), dtype=h.dtype).at[col].add(msg)
    return out + b

def setup_inputs(seed: int = 0):
    key = jax.random.key(seed)
    ks = jax.random.split(key, 10)
    x = jax.random.normal(ks[0], (N, IN_CH), dtype=jnp.float32)
    edge_index = jax.random.randint(ks[1], (2, E), 0, N, dtype=jnp.int32)
    def lin(k, fi, fo):
        return (jax.random.normal(k, (fi, fo), dtype=jnp.float32) / np.sqrt(fi)).astype(jnp.float32)
    return {
        "x": x, "edge_index": edge_index,
        "W1": lin(ks[2], IN_CH, 1024), "b1": jnp.zeros((1024,), jnp.float32),
        "g1": jnp.ones((1024,), jnp.float32), "be1": jnp.zeros((1024,), jnp.float32),
        "W2": lin(ks[3], 1024, 512), "b2": jnp.zeros((512,), jnp.float32),
        "g2": jnp.ones((512,), jnp.float32), "be2": jnp.zeros((512,), jnp.float32),
        "Wc1": lin(ks[4], 512, HID), "bc1": jnp.zeros((HID,), jnp.float32),
        "Wmu": lin(ks[5], HID, LAT), "bmu": jnp.zeros((LAT,), jnp.float32),
        "Wls": lin(ks[6], HID, LAT), "bls": jnp.zeros((LAT,), jnp.float32),
        "eps": jax.random.normal(ks[7], (N, LAT), dtype=jnp.float32),
    }

def reference(x, edge_index, W1, b1, g1, be1, W2, b2, g2, be2, Wc1, bc1, Wmu, bmu, Wls, bls, eps):
    h = _leaky(_bn(x @ W1 + b1, g1, be1))
    h = _leaky(_bn(h @ W2 + b2, g2, be2))
    h = jax.nn.relu(_gcn(h, edge_index, Wc1, bc1))
    mu = _gcn(h, edge_index, Wmu, bmu)
    logstd = _gcn(h, edge_index, Wls, bls)
    z = eps * jnp.exp(logstd) + mu
    return (mu, logstd, z)

if __name__ == "__main__":
    import jax
    _d = setup_inputs()
    print(jax.jit(kernel)(*tuple(_d.values())))

</pallas_src>

<mosaic_0001>
#map = affine_map<(d0, d1) -> (0, 0)>
#map1 = affine_map<(d0, d1) -> (0, 0, 0)>
module attributes {stable_mosaic.version = 14 : i64} {
  func.func @_sc_aggregate_body(%arg0: i32, %arg1: i32, %arg2: memref<10240x128xf32, #tpu.memory_space<hbm>>, %arg3: memref<1336x128xi32, #tpu.memory_space<hbm>>, %arg4: memref<1336x128xi32, #tpu.memory_space<hbm>>, %arg5: memref<10240x128xf32, #tpu.memory_space<hbm>>, %arg6: memref<2x10240x128xf32, #tpu.memory_space<hbm>>, %arg7: memref<56x128xi32, #tpu.memory_space<vmem>>, %arg8: memref<56x128xi32, #tpu.memory_space<vmem>>, %arg9: memref<128x128xf32, #tpu.memory_space<vmem>>, %arg10: memref<10240x128xf32, #tpu.memory_space<vmem_shared>>, %arg11: memref<!tpu.dma_semaphore, #tpu.memory_space<semaphore_mem>>) attributes {dimension_semantics = [#tpu.dimension_semantics<core_parallel>, #tpu.dimension_semantics<subcore_parallel>], iteration_bounds = array<i64: 2, 16>, scalar_prefetch = 0 : i64, scratch_operands = 5 : i64, tpu.core_type = #tpu.core_type<sc_vector_subcore>, window_params = [{transform_indices = #map}, {transform_indices = #map}, {transform_indices = #map}, {transform_indices = #map}, {transform_indices = #map1}]} {
    %mul3A = arith.constant 640 : i32
    %mul3A_0 = arith.muli %arg1, %mul3A : i32
    "tpu.region"() ({
      %run_scoped3A = tpu.sem_alloc : memref<!tpu.dma_semaphore, #tpu.memory_space<semaphore_mem>>
      %dma_start3A = arith.constant 0 : i32
      %dma_start3A_21 = tpu.memref_slice %arg10[%mul3A_0, %dma_start3A] : memref<10240x128xf32, #tpu.memory_space<vmem_shared>> -> memref<640x128xf32, #tpu.memory_space<vmem_shared>>
      %dma_start3A_22 = arith.constant 0 : i32
      %dma_start3A_23 = tpu.memref_slice %arg5[%mul3A_0, %dma_start3A_22] : memref<10240x128xf32, #tpu.memory_space<hbm>> -> memref<640x128xf32, #tpu.memory_space<hbm>>
      tpu.enqueue_dma source(%dma_start3A_23 : memref<640x128xf32, #tpu.memory_space<hbm>>) target(%dma_start3A_21 : memref<640x128xf32, #tpu.memory_space<vmem_shared>>) target_semaphore(%run_scoped3A : memref<!tpu.dma_semaphore, #tpu.memory_space<semaphore_mem>>)
      %dma_wait3A = arith.constant 0 : i32
      %dma_wait3A_24 = tpu.memref_slice %arg10[%mul3A_0, %dma_wait3A] : memref<10240x128xf32, #tpu.memory_space<vmem_shared>> -> memref<640x128xf32, #tpu.memory_space<vmem_shared>>
      %dma_wait3A_25 = arith.constant 0 : i32
      %dma_wait3A_26 = tpu.memref_slice %arg5[%mul3A_0, %dma_wait3A_25] : memref<10240x128xf32, #tpu.memory_space<hbm>> -> memref<640x128xf32, #tpu.memory_space<hbm>>
      tpu.wait_dma2 semaphore(%run_scoped3A : memref<!tpu.dma_semaphore, #tpu.memory_space<semaphore_mem>>) src(%dma_wait3A_26 : memref<640x128xf32, #tpu.memory_space<hbm>>) dst(%dma_wait3A_24 : memref<640x128xf32, #tpu.memory_space<vmem_shared>>)
      tpu.yield
    }) : () -> ()
    %eq3A = arith.constant 0 : i32
    %eq3A_1 = arith.cmpi eq, %arg0, %eq3A : i32
    %mul3A_2 = arith.constant 56 : i32
    %mul3A_3 = arith.muli %arg1, %mul3A_2 : i32
    %mul3A_4 = arith.constant 24 : i32
    %mul3A_5 = arith.muli %arg1, %mul3A_4 : i32
    %add3A = arith.constant 896 : i32
    %add3A_6 = arith.addi %add3A, %mul3A_5 : i32
    %select_n3A = arith.select %eq3A_1, %mul3A_3, %add3A_6 : i32
    %multiple_of3A = tpu.assume_multiple %select_n3A, 8 : i32
    "tpu.region"() ({
      %run_scoped3A = tpu.sem_alloc : memref<!tpu.dma_semaphore, #tpu.memory_space<semaphore_mem>>
      %dma_start3A = arith.constant 0 : i32
      %dma_start3A_21 = tpu.memref_slice %arg3[%multiple_of3A, %dma_start3A] : memref<1336x128xi32, #tpu.memory_space<hbm>> -> memref<56x128xi32, #tpu.memory_space<hbm>>
      %dma_start3A_22 = arith.constant 0 : i32
      %dma_start3A_23 = tpu.memref_slice %arg3[%multiple_of3A, %dma_start3A_22] : memref<1336x128xi32, #tpu.memory_space<hbm>> -> memref<56x128xi32, #tpu.memory_space<hbm>>
      tpu.enqueue_dma source(%dma_start3A_23 : memref<56x128xi32, #tpu.memory_space<hbm>>) target(%arg7 : memref<56x128xi32, #tpu.memory_space<vmem>>) target_semaphore(%run_scoped3A : memref<!tpu.dma_semaphore, #tpu.memory_space<semaphore_mem>>)
      %dma_wait3A = arith.constant 0 : i32
      %dma_wait3A_24 = tpu.memref_slice %arg3[%multiple_of3A, %dma_wait3A] : memref<1336x128xi32, #tpu.memory_space<hbm>> -> memref<56x128xi32, #tpu.memory_space<hbm>>
      %dma_wait3A_25 = arith.constant 0 : i32
      %dma_wait3A_26 = tpu.memref_slice %arg3[%multiple_of3A, %dma_wait3A_25] : memref<1336x128xi32, #tpu.memory_space<hbm>> -> memref<56x128xi32, #tpu.memory_space<hbm>>
      tpu.wait_dma2 semaphore(%run_scoped3A : memref<!tpu.dma_semaphore, #tpu.memory_space<semaphore_mem>>) src(%dma_wait3A_26 : memref<56x128xi32, #tpu.memory_space<hbm>>) dst(%arg7 : memref<56x128xi32, #tpu.memory_space<vmem>>)
      tpu.yield
    }) : () -> ()
    "tpu.region"() ({
      %run_scoped3A = tpu.sem_alloc : memref<!tpu.dma_semaphore, #tpu.memory_space<semaphore_mem>>
      %dma_start3A = arith.constant 0 : i32
      %dma_start3A_21 = tpu.memref_slice %arg4[%multiple_of3A, %dma_start3A] : memref<1336x128xi32, #tpu.memory_space<hbm>> -> memref<56x128xi32, #tpu.memory_space<hbm>>
      %dma_start3A_22 = arith.constant 0 : i32
      %dma_start3A_23 = tpu.memref_slice %arg4[%multiple_of3A, %dma_start3A_22] : memref<1336x128xi32, #tpu.memory_space<hbm>> -> memref<56x128xi32, #tpu.memory_space<hbm>>
      tpu.enqueue_dma source(%dma_start3A_23 : memref<56x128xi32, #tpu.memory_space<hbm>>) target(%arg8 : memref<56x128xi32, #tpu.memory_space<vmem>>) target_semaphore(%run_scoped3A : memref<!tpu.dma_semaphore, #tpu.memory_space<semaphore_mem>>)
      %dma_wait3A = arith.constant 0 : i32
      %dma_wait3A_24 = tpu.memref_slice %arg4[%multiple_of3A, %dma_wait3A] : memref<1336x128xi32, #tpu.memory_space<hbm>> -> memref<56x128xi32, #tpu.memory_space<hbm>>
      %dma_wait3A_25 = arith.constant 0 : i32
      %dma_wait3A_26 = tpu.memref_slice %arg4[%multiple_of3A, %dma_wait3A_25] : memref<1336x128xi32, #tpu.memory_space<hbm>> -> memref<56x128xi32, #tpu.memory_space<hbm>>
      tpu.wait_dma2 semaphore(%run_scoped3A : memref<!tpu.dma_semaphore, #tpu.memory_space<semaphore_mem>>) src(%dma_wait3A_26 : memref<56x128xi32, #tpu.memory_space<hbm>>) dst(%arg8 : memref<56x128xi32, #tpu.memory_space<vmem>>)
      tpu.yield
    }) : () -> ()
    %eq3A_7 = arith.constant 0 : i32
    %eq3A_8 = arith.cmpi eq, %arg0, %eq3A_7 : i32
    %jit3A = arith.constant 56 : i32
    %jit3A_9 = arith.constant 24 : i32
    %select_n3A_10 = arith.select %eq3A_8, %jit3A, %jit3A_9 : i32
    %barrier3A = arith.constant 0 : index
    tpu.barrier barrier_id(%barrier3A)
    %while3A = arith.constant 0 : i32
    %while3A_11 = arith.constant 0 : i32
    %while3A_12 = arith.subi %select_n3A_10, %while3A_11 : i32
    %while3A_13 = arith.addi %while3A_11, %while3A_12 : i32
    %while3A_14 = arith.constant 1 : i32
    %while3A_15 = arith.divsi %while3A_12, %while3A_14 : i32
    %while3A_16 = arith.muli %while3A_15, %while3A_14 : i32
    %while3A_17 = arith.addi %while3A_11, %while3A_16 : i32
    %while3A_18 = arith.constant 1 : i32
    scf.for %while3A_21 = %while3A_11 to %while3A_17 step %while3A_18  : i32 {
      %dma_start3A = arith.constant 0 : i32
      %dma_start3A_22 = tpu.memref_slice %arg7[%while3A_21, %dma_start3A] : memref<56x128xi32, #tpu.memory_space<vmem>> -> memref<1x128xi32, #tpu.memory_space<vmem>>
      %dma_start3A_23 = tpu.memref_squeeze %dma_start3A_22 : memref<1x128xi32, #tpu.memory_space<vmem>> -> memref<128xi32, #tpu.memory_space<vmem>>
      %dma_start3A_24 = arith.constant 0 : i32
      %dma_start3A_25 = arith.constant 0 : i32
      %dma_start3A_26 = tpu.memref_slice %arg2[%dma_start3A_24, %dma_start3A_25] : memref<10240x128xf32, #tpu.memory_space<hbm>> -> memref<10240x128xf32, #tpu.memory_space<hbm>>
      tpu.enqueue_indirect_dma source(%dma_start3A_26 : memref<10240x128xf32, #tpu.memory_space<hbm>>) target(%arg9 : memref<128x128xf32, #tpu.memory_space<vmem>>) offsets(%dma_start3A_23 : memref<128xi32, #tpu.memory_space<vmem>>) semaphore(%arg11 : memref<!tpu.dma_semaphore, #tpu.memory_space<semaphore_mem>>)
      %dma_wait3A = arith.constant 0 : i32
      %dma_wait3A_27 = tpu.memref_slice %arg7[%while3A_21, %dma_wait3A] : memref<56x128xi32, #tpu.memory_space<vmem>> -> memref<1x128xi32, #tpu.memory_space<vmem>>
      %dma_wait3A_28 = tpu.memref_squeeze %dma_wait3A_27 : memref<1x128xi32, #tpu.memory_space<vmem>> -> memref<128xi32, #tpu.memory_space<vmem>>
      %dma_wait3A_29 = arith.constant 0 : i32
      %dma_wait3A_30 = arith.constant 0 : i32
      %dma_wait3A_31 = tpu.memref_slice %arg2[%dma_wait3A_29, %dma_wait3A_30] : memref<10240x128xf32, #tpu.memory_space<hbm>> -> memref<10240x128xf32, #tpu.memory_space<hbm>>
      tpu.wait_indirect_dma semaphore(%arg11 : memref<!tpu.dma_semaphore, #tpu.memory_space<semaphore_mem>>) src(%dma_wait3A_31 : memref<10240x128xf32, #tpu.memory_space<hbm>>) dst(%arg9 : memref<128x128xf32, #tpu.memory_space<vmem>>)
      "tpu.region"() ({
        %run_scoped3A = tpu.sem_alloc : memref<!tpu.dma_semaphore, #tpu.memory_space<semaphore_mem>>
        %dma_start3A_32 = arith.constant 0 : i32
        %dma_start3A_33 = tpu.memref_slice %arg8[%while3A_21, %dma_start3A_32] : memref<56x128xi32, #tpu.memory_space<vmem>> -> memref<1x128xi32, #tpu.memory_space<vmem>>
        %dma_start3A_34 = tpu.memref_squeeze %dma_start3A_33 : memref<1x128xi32, #tpu.memory_space<vmem>> -> memref<128xi32, #tpu.memory_space<vmem>>
        %dma_start3A_35 = arith.constant 0 : i32
        %dma_start3A_36 = arith.constant 0 : i32
        %dma_start3A_37 = tpu.memref_slice %arg10[%dma_start3A_35, %dma_start3A_36] : memref<10240x128xf32, #tpu.memory_space<vmem_shared>> -> memref<10240x128xf32, #tpu.memory_space<vmem_shared>>
        tpu.enqueue_indirect_dma source(%arg9 : memref<128x128xf32, #tpu.memory_space<vmem>>) target(%dma_start3A_37 : memref<10240x128xf32, #tpu.memory_space<vmem_shared>>) offsets(%dma_start3A_34 : memref<128xi32, #tpu.memory_space<vmem>>) semaphore(%run_scoped3A : memref<!tpu.dma_semaphore, #tpu.memory_space<semaphore_mem>>) {add = true}
        %dma_wait3A_38 = arith.constant 0 : i32
        %dma_wait3A_39 = tpu.memref_slice %arg8[%while3A_21, %dma_wait3A_38] : memref<56x128xi32, #tpu.memory_space<vmem>> -> memref<1x128xi32, #tpu.memory_space<vmem>>
        %dma_wait3A_40 = tpu.memref_squeeze %dma_wait3A_39 : memref<1x128xi32, #tpu.memory_space<vmem>> -> memref<128xi32, #tpu.memory_space<vmem>>
        %dma_wait3A_41 = arith.constant 0 : i32
        %dma_wait3A_42 = arith.constant 0 : i32
        %dma_wait3A_43 = tpu.memref_slice %arg10[%dma_wait3A_41, %dma_wait3A_42] : memref<10240x128xf32, #tpu.memory_space<vmem_shared>> -> memref<10240x128xf32, #tpu.memory_space<vmem_shared>>
        tpu.wait_indirect_dma semaphore(%run_scoped3A : memref<!tpu.dma_semaphore, #tpu.memory_space<semaphore_mem>>) src(%arg9 : memref<128x128xf32, #tpu.memory_space<vmem>>) dst(%dma_wait3A_43 : memref<10240x128xf32, #tpu.memory_space<vmem_shared>>)
        tpu.yield
      }) : () -> ()
    }
    %while3A_19 = arith.constant 1 : i32
    scf.for %while3A_21 = %while3A_17 to %while3A_13 step %while3A_19  : i32 {
      %dma_start3A = arith.constant 0 : i32
      %dma_start3A_22 = tpu.memref_slice %arg7[%while3A_21, %dma_start3A] : memref<56x128xi32, #tpu.memory_space<vmem>> -> memref<1x128xi32, #tpu.memory_space<vmem>>
      %dma_start3A_23 = tpu.memref_squeeze %dma_start3A_22 : memref<1x128xi32, #tpu.memory_space<vmem>> -> memref<128xi32, #tpu.memory_space<vmem>>
      %dma_start3A_24 = arith.constant 0 : i32
      %dma_start3A_25 = arith.constant 0 : i32
      %dma_start3A_26 = tpu.memref_slice %arg2[%dma_start3A_24, %dma_start3A_25] : memref<10240x128xf32, #tpu.memory_space<hbm>> -> memref<10240x128xf32, #tpu.memory_space<hbm>>
      tpu.enqueue_indirect_dma source(%dma_start3A_26 : memref<10240x128xf32, #tpu.memory_space<hbm>>) target(%arg9 : memref<128x128xf32, #tpu.memory_space<vmem>>) offsets(%dma_start3A_23 : memref<128xi32, #tpu.memory_space<vmem>>) semaphore(%arg11 : memref<!tpu.dma_semaphore, #tpu.memory_space<semaphore_mem>>)
      %dma_wait3A = arith.constant 0 : i32
      %dma_wait3A_27 = tpu.memref_slice %arg7[%while3A_21, %dma_wait3A] : memref<56x128xi32, #tpu.memory_space<vmem>> -> memref<1x128xi32, #tpu.memory_space<vmem>>
      %dma_wait3A_28 = tpu.memref_squeeze %dma_wait3A_27 : memref<1x128xi32, #tpu.memory_space<vmem>> -> memref<128xi32, #tpu.memory_space<vmem>>
      %dma_wait3A_29 = arith.constant 0 : i32
      %dma_wait3A_30 = arith.constant 0 : i32
      %dma_wait3A_31 = tpu.memref_slice %arg2[%dma_wait3A_29, %dma_wait3A_30] : memref<10240x128xf32, #tpu.memory_space<hbm>> -> memref<10240x128xf32, #tpu.memory_space<hbm>>
      tpu.wait_indirect_dma semaphore(%arg11 : memref<!tpu.dma_semaphore, #tpu.memory_space<semaphore_mem>>) src(%dma_wait3A_31 : memref<10240x128xf32, #tpu.memory_space<hbm>>) dst(%arg9 : memref<128x128xf32, #tpu.memory_space<vmem>>)
      "tpu.region"() ({
        %run_scoped3A = tpu.sem_alloc : memref<!tpu.dma_semaphore, #tpu.memory_space<semaphore_mem>>
        %dma_start3A_32 = arith.constant 0 : i32
        %dma_start3A_33 = tpu.memref_slice %arg8[%while3A_21, %dma_start3A_32] : memref<56x128xi32, #tpu.memory_space<vmem>> -> memref<1x128xi32, #tpu.memory_space<vmem>>
        %dma_start3A_34 = tpu.memref_squeeze %dma_start3A_33 : memref<1x128xi32, #tpu.memory_space<vmem>> -> memref<128xi32, #tpu.memory_space<vmem>>
        %dma_start3A_35 = arith.constant 0 : i32
        %dma_start3A_36 = arith.constant 0 : i32
        %dma_start3A_37 = tpu.memref_slice %arg10[%dma_start3A_35, %dma_start3A_36] : memref<10240x128xf32, #tpu.memory_space<vmem_shared>> -> memref<10240x128xf32, #tpu.memory_space<vmem_shared>>
        tpu.enqueue_indirect_dma source(%arg9 : memref<128x128xf32, #tpu.memory_space<vmem>>) target(%dma_start3A_37 : memref<10240x128xf32, #tpu.memory_space<vmem_shared>>) offsets(%dma_start3A_34 : memref<128xi32, #tpu.memory_space<vmem>>) semaphore(%run_scoped3A : memref<!tpu.dma_semaphore, #tpu.memory_space<semaphore_mem>>) {add = true}
        %dma_wait3A_38 = arith.constant 0 : i32
        %dma_wait3A_39 = tpu.memref_slice %arg8[%while3A_21, %dma_wait3A_38] : memref<56x128xi32, #tpu.memory_space<vmem>> -> memref<1x128xi32, #tpu.memory_space<vmem>>
        %dma_wait3A_40 = tpu.memref_squeeze %dma_wait3A_39 : memref<1x128xi32, #tpu.memory_space<vmem>> -> memref<128xi32, #tpu.memory_space<vmem>>
        %dma_wait3A_41 = arith.constant 0 : i32
        %dma_wait3A_42 = arith.constant 0 : i32
        %dma_wait3A_43 = tpu.memref_slice %arg10[%dma_wait3A_41, %dma_wait3A_42] : memref<10240x128xf32, #tpu.memory_space<vmem_shared>> -> memref<10240x128xf32, #tpu.memory_space<vmem_shared>>
        tpu.wait_indirect_dma semaphore(%run_scoped3A : memref<!tpu.dma_semaphore, #tpu.memory_space<semaphore_mem>>) src(%arg9 : memref<128x128xf32, #tpu.memory_space<vmem>>) dst(%dma_wait3A_43 : memref<10240x128xf32, #tpu.memory_space<vmem_shared>>)
        tpu.yield
      }) : () -> ()
    }
    %barrier3A_20 = arith.constant 0 : index
    tpu.barrier barrier_id(%barrier3A_20)
    "tpu.region"() ({
      %run_scoped3A = tpu.sem_alloc : memref<!tpu.dma_semaphore, #tpu.memory_space<semaphore_mem>>
      %dma_start3A = arith.constant 0 : i32
      %dma_start3A_21 = tpu.memref_slice %arg6[%arg0, %mul3A_0, %dma_start3A] : memref<2x10240x128xf32, #tpu.memory_space<hbm>> -> memref<1x640x128xf32, #tpu.memory_space<hbm>>
      %dma_start3A_22 = tpu.memref_squeeze %dma_start3A_21 : memref<1x640x128xf32, #tpu.memory_space<hbm>> -> memref<640x128xf32, #tpu.memory_space<hbm>>
      %dma_start3A_23 = arith.constant 0 : i32
      %dma_start3A_24 = tpu.memref_slice %arg10[%mul3A_0, %dma_start3A_23] : memref<10240x128xf32, #tpu.memory_space<vmem_shared>> -> memref<640x128xf32, #tpu.memory_space<vmem_shared>>
      tpu.enqueue_dma source(%dma_start3A_24 : memref<640x128xf32, #tpu.memory_space<vmem_shared>>) target(%dma_start3A_22 : memref<640x128xf32, #tpu.memory_space<hbm>>) target_semaphore(%run_scoped3A : memref<!tpu.dma_semaphore, #tpu.memory_space<semaphore_mem>>)
      %dma_wait3A = arith.constant 0 : i32
      %dma_wait3A_25 = tpu.memref_slice %arg6[%arg0, %mul3A_0, %dma_wait3A] : memref<2x10240x128xf32, #tpu.memory_space<hbm>> -> memref<1x640x128xf32, #tpu.memory_space<hbm>>
      %dma_wait3A_26 = tpu.memref_squeeze %dma_wait3A_25 : memref<1x640x128xf32, #tpu.memory_space<hbm>> -> memref<640x128xf32, #tpu.memory_space<hbm>>
      %dma_wait3A_27 = arith.constant 0 : i32
      %dma_wait3A_28 = tpu.memref_slice %arg10[%mul3A_0, %dma_wait3A_27] : memref<10240x128xf32, #tpu.memory_space<vmem_shared>> -> memref<640x128xf32, #tpu.memory_space<vmem_shared>>
      tpu.wait_dma2 semaphore(%run_scoped3A : memref<!tpu.dma_semaphore, #tpu.memory_space<semaphore_mem>>) src(%dma_wait3A_28 : memref<640x128xf32, #tpu.memory_space<vmem_shared>>) dst(%dma_wait3A_26 : memref<640x128xf32, #tpu.memory_space<hbm>>)
      tpu.yield
    }) : () -> ()
    return
  }
}

#map = affine_map<(d0, d1) -> (0, 0)>
#map1 = affine_map<(d0, d1) -> (0, 0, 0)>
module attributes {stable_mosaic.version = 14 : i64} {
  func.func @_sc_degree_body(%arg0: i32, %arg1: i32, %arg2: memref<1336x128xi32, #tpu.memory_space<hbm>>, %arg3: memref<128x16xf32, #tpu.memory_space<hbm>>, %arg4: memref<10240x16xf32, #tpu.memory_space<hbm>>, %arg5: memref<2x10240x16xf32, #tpu.memory_space<hbm>>, %arg6: memref<40x128xi32, #tpu.memory_space<vmem>>, %arg7: memref<128x16xf32, #tpu.memory_space<vmem>>, %arg8: memref<10240x16xf32, #tpu.memory_space<vmem_shared>>) attributes {dimension_semantics = [#tpu.dimension_semantics<core_parallel>, #tpu.dimension_semantics<subcore_parallel>], iteration_bounds = array<i64: 2, 16>, scalar_prefetch = 0 : i64, scratch_operands = 3 : i64, tpu.core_type = #tpu.core_type<sc_vector_subcore>, window_params = [{transform_indices = #map}, {transform_indices = #map}, {transform_indices = #map}, {transform_indices = #map1}]} {
    %mul3A = arith.constant 16 : i32
    %mul3A_0 = arith.muli %arg0, %mul3A : i32
    %add3A = arith.addi %mul3A_0, %arg1 : i32
    %mul3A_1 = arith.constant 640 : i32
    %mul3A_2 = arith.muli %arg1, %mul3A_1 : i32
    "tpu.region"() ({
      %run_scoped3A = tpu.sem_alloc : memref<!tpu.dma_semaphore, #tpu.memory_space<semaphore_mem>>
      %dma_start3A = arith.constant 0 : i32
      %dma_start3A_11 = tpu.memref_slice %arg8[%mul3A_2, %dma_start3A] : memref<10240x16xf32, #tpu.memory_space<vmem_shared>> -> memref<640x16xf32, #tpu.memory_space<vmem_shared>>
      %dma_start3A_12 = arith.constant 0 : i32
      %dma_start3A_13 = tpu.memref_slice %arg4[%mul3A_2, %dma_start3A_12] : memref<10240x16xf32, #tpu.memory_space<hbm>> -> memref<640x16xf32, #tpu.memory_space<hbm>>
      tpu.enqueue_dma source(%dma_start3A_13 : memref<640x16xf32, #tpu.memory_space<hbm>>) target(%dma_start3A_11 : memref<640x16xf32, #tpu.memory_space<vmem_shared>>) target_semaphore(%run_scoped3A : memref<!tpu.dma_semaphore, #tpu.memory_space<semaphore_mem>>)
      %dma_wait3A = arith.constant 0 : i32
      %dma_wait3A_14 = tpu.memref_slice %arg8[%mul3A_2, %dma_wait3A] : memref<10240x16xf32, #tpu.memory_space<vmem_shared>> -> memref<640x16xf32, #tpu.memory_space<vmem_shared>>
      %dma_wait3A_15 = arith.constant 0 : i32
      %dma_wait3A_16 = tpu.memref_slice %arg4[%mul3A_2, %dma_wait3A_15] : memref<10240x16xf32, #tpu.memory_space<hbm>> -> memref<640x16xf32, #tpu.memory_space<hbm>>
      tpu.wait_dma2 semaphore(%run_scoped3A : memref<!tpu.dma_semaphore, #tpu.memory_space<semaphore_mem>>) src(%dma_wait3A_16 : memref<640x16xf32, #tpu.memory_space<hbm>>) dst(%dma_wait3A_14 : memref<640x16xf32, #tpu.memory_space<vmem_shared>>)
      tpu.yield
    }) : () -> ()
    %mul3A_3 = arith.constant 40 : i32
    %mul3A_4 = arith.muli %add3A, %mul3A_3 : i32
    "tpu.region"() ({
      %run_scoped3A = tpu.sem_alloc : memref<!tpu.dma_semaphore, #tpu.memory_space<semaphore_mem>>
      %dma_start3A = arith.constant 0 : i32
      %dma_start3A_11 = tpu.memref_slice %arg2[%mul3A_4, %dma_start3A] : memref<1336x128xi32, #tpu.memory_space<hbm>> -> memref<40x128xi32, #tpu.memory_space<hbm>>
      %dma_start3A_12 = arith.constant 0 : i32
      %dma_start3A_13 = tpu.memref_slice %arg2[%mul3A_4, %dma_start3A_12] : memref<1336x128xi32, #tpu.memory_space<hbm>> -> memref<40x128xi32, #tpu.memory_space<hbm>>
      tpu.enqueue_dma source(%dma_start3A_13 : memref<40x128xi32, #tpu.memory_space<hbm>>) target(%arg6 : memref<40x128xi32, #tpu.memory_space<vmem>>) target_semaphore(%run_scoped3A : memref<!tpu.dma_semaphore, #tpu.memory_space<semaphore_mem>>)
      %dma_wait3A = arith.constant 0 : i32
      %dma_wait3A_14 = tpu.memref_slice %arg2[%mul3A_4, %dma_wait3A] : memref<1336x128xi32, #tpu.memory_space<hbm>> -> memref<40x128xi32, #tpu.memory_space<hbm>>
      %dma_wait3A_15 = arith.constant 0 : i32
      %dma_wait3A_16 = tpu.memref_slice %arg2[%mul3A_4, %dma_wait3A_15] : memref<1336x128xi32, #tpu.memory_space<hbm>> -> memref<40x128xi32, #tpu.memory_space<hbm>>
      tpu.wait_dma2 semaphore(%run_scoped3A : memref<!tpu.dma_semaphore, #tpu.memory_space<semaphore_mem>>) src(%dma_wait3A_16 : memref<40x128xi32, #tpu.memory_space<hbm>>) dst(%arg6 : memref<40x128xi32, #tpu.memory_space<vmem>>)
      tpu.yield
    }) : () -> ()
    "tpu.region"() ({
      %run_scoped3A = tpu.sem_alloc : memref<!tpu.dma_semaphore, #tpu.memory_space<semaphore_mem>>
      tpu.enqueue_dma source(%arg3 : memref<128x16xf32, #tpu.memory_space<hbm>>) target(%arg7 : memref<128x16xf32, #tpu.memory_space<vmem>>) target_semaphore(%run_scoped3A : memref<!tpu.dma_semaphore, #tpu.memory_space<semaphore_mem>>)
      tpu.wait_dma2 semaphore(%run_scoped3A : memref<!tpu.dma_semaphore, #tpu.memory_space<semaphore_mem>>) src(%arg3 : memref<128x16xf32, #tpu.memory_space<hbm>>) dst(%arg7 : memref<128x16xf32, #tpu.memory_space<vmem>>)
      tpu.yield
    }) : () -> ()
    %barrier3A = arith.constant 0 : index
    tpu.barrier barrier_id(%barrier3A)
    %scan3A = arith.constant 0 : i32
    %scan3A_5 = arith.constant 0 : i32
    %scan3A_6 = arith.constant 40 : i32
    %scan3A_7 = arith.addi %scan3A_5, %scan3A_6 : i32
    %scan3A_8 = arith.constant 1 : i32
    scf.for %scan3A_11 = %scan3A_5 to %scan3A_7 step %scan3A_8  : i32 {
      "tpu.region"() ({
        %run_scoped3A = tpu.sem_alloc : memref<!tpu.dma_semaphore, #tpu.memory_space<semaphore_mem>>
        %dma_start3A = arith.constant 0 : i32
        %dma_start3A_12 = tpu.memref_slice %arg6[%scan3A_11, %dma_start3A] : memref<40x128xi32, #tpu.memory_space<vmem>> -> memref<1x128xi32, #tpu.memory_space<vmem>>
        %dma_start3A_13 = tpu.memref_squeeze %dma_start3A_12 : memref<1x128xi32, #tpu.memory_space<vmem>> -> memref<128xi32, #tpu.memory_space<vmem>>
        %dma_start3A_14 = arith.constant 0 : i32
        %dma_start3A_15 = arith.constant 0 : i32
        %dma_start3A_16 = tpu.memref_slice %arg8[%dma_start3A_14, %dma_start3A_15] : memref<10240x16xf32, #tpu.memory_space<vmem_shared>> -> memref<10240x16xf32, #tpu.memory_space<vmem_shared>>
        tpu.enqueue_indirect_dma source(%arg7 : memref<128x16xf32, #tpu.memory_space<vmem>>) target(%dma_start3A_16 : memref<10240x16xf32, #tpu.memory_space<vmem_shared>>) offsets(%dma_start3A_13 : memref<128xi32, #tpu.memory_space<vmem>>) semaphore(%run_scoped3A : memref<!tpu.dma_semaphore, #tpu.memory_space<semaphore_mem>>) {add = true}
        %dma_wait3A = arith.constant 0 : i32
        %dma_wait3A_17 = tpu.memref_slice %arg6[%scan3A_11, %dma_wait3A] : memref<40x128xi32, #tpu.memory_space<vmem>> -> memref<1x128xi32, #tpu.memory_space<vmem>>
        %dma_wait3A_18 = tpu.memref_squeeze %dma_wait3A_17 : memref<1x128xi32, #tpu.memory_space<vmem>> -> memref<128xi32, #tpu.memory_space<vmem>>
        %dma_wait3A_19 = arith.constant 0 : i32
        %dma_wait3A_20 = arith.constant 0 : i32
        %dma_wait3A_21 = tpu.memref_slice %arg8[%dma_wait3A_19, %dma_wait3A_20] : memref<10240x16xf32, #tpu.memory_space<vmem_shared>> -> memref<10240x16xf32, #tpu.memory_space<vmem_shared>>
        tpu.wait_indirect_dma semaphore(%run_scoped3A : memref<!tpu.dma_semaphore, #tpu.memory_space<semaphore_mem>>) src(%arg7 : memref<128x16xf32, #tpu.memory_space<vmem>>) dst(%dma_wait3A_21 : memref<10240x16xf32, #tpu.memory_space<vmem_shared>>)
        tpu.yield
      }) : () -> ()
    }
    %scan3A_9 = arith.constant 40 : i32
    %barrier3A_10 = arith.constant 0 : index
    tpu.barrier barrier_id(%barrier3A_10)
    "tpu.region"() ({
      %run_scoped3A = tpu.sem_alloc : memref<!tpu.dma_semaphore, #tpu.memory_space<semaphore_mem>>
      %dma_start3A = arith.constant 0 : i32
      %dma_start3A_11 = tpu.memref_slice %arg5[%arg0, %mul3A_2, %dma_start3A] : memref<2x10240x16xf32, #tpu.memory_space<hbm>> -> memref<1x640x16xf32, #tpu.memory_space<hbm>>
      %dma_start3A_12 = tpu.memref_squeeze %dma_start3A_11 : memref<1x640x16xf32, #tpu.memory_space<hbm>> -> memref<640x16xf32, #tpu.memory_space<hbm>>
      %dma_start3A_13 = arith.constant 0 : i32
      %dma_start3A_14 = tpu.memref_slice %arg8[%mul3A_2, %dma_start3A_13] : memref<10240x16xf32, #tpu.memory_space<vmem_shared>> -> memref<640x16xf32, #tpu.memory_space<vmem_shared>>
      tpu.enqueue_dma source(%dma_start3A_14 : memref<640x16xf32, #tpu.memory_space<vmem_shared>>) target(%dma_start3A_12 : memref<640x16xf32, #tpu.memory_space<hbm>>) target_semaphore(%run_scoped3A : memref<!tpu.dma_semaphore, #tpu.memory_space<semaphore_mem>>)
      %dma_wait3A = arith.constant 0 : i32
      %dma_wait3A_15 = tpu.memref_slice %arg5[%arg0, %mul3A_2, %dma_wait3A] : memref<2x10240x16xf32, #tpu.memory_space<hbm>> -> memref<1x640x16xf32, #tpu.memory_space<hbm>>
      %dma_wait3A_16 = tpu.memref_squeeze %dma_wait3A_15 : memref<1x640x16xf32, #tpu.memory_space<hbm>> -> memref<640x16xf32, #tpu.memory_space<hbm>>
      %dma_wait3A_17 = arith.constant 0 : i32
      %dma_wait3A_18 = tpu.memref_slice %arg8[%mul3A_2, %dma_wait3A_17] : memref<10240x16xf32, #tpu.memory_space<vmem_shared>> -> memref<640x16xf32, #tpu.memory_space<vmem_shared>>
      tpu.wait_dma2 semaphore(%run_scoped3A : memref<!tpu.dma_semaphore, #tpu.memory_space<semaphore_mem>>) src(%dma_wait3A_18 : memref<640x16xf32, #tpu.memory_space<vmem_shared>>) dst(%dma_wait3A_16 : memref<640x16xf32, #tpu.memory_space<hbm>>)
      tpu.yield
    }) : () -> ()
    return
  }
}

#map = affine_map<(d0, d1) -> (0, 0)>
#map1 = affine_map<(d0, d1) -> (0, 0, 0)>
module attributes {stable_mosaic.version = 14 : i64} {
  func.func @_sc_aggregate_body(%arg0: i32, %arg1: i32, %arg2: memref<10240x128xf32, #tpu.memory_space<hbm>>, %arg3: memref<1336x128xi32, #tpu.memory_space<hbm>>, %arg4: memref<1336x128xi32, #tpu.memory_space<hbm>>, %arg5: memref<10240x128xf32, #tpu.memory_space<hbm>>, %arg6: memref<2x10240x128xf32, #tpu.memory_space<hbm>>, %arg7: memref<56x128xi32, #tpu.memory_space<vmem>>, %arg8: memref<56x128xi32, #tpu.memory_space<vmem>>, %arg9: memref<128x128xf32, #tpu.memory_space<vmem>>, %arg10: memref<10240x128xf32, #tpu.memory_space<vmem_shared>>, %arg11: memref<!tpu.dma_semaphore, #tpu.memory_space<semaphore_mem>>) attributes {dimension_semantics = [#tpu.dimension_semantics<core_parallel>, #tpu.dimension_semantics<subcore_parallel>], iteration_bounds = array<i64: 2, 16>, scalar_prefetch = 0 : i64, scratch_operands = 5 : i64, tpu.core_type = #tpu.core_type<sc_vector_subcore>, window_params = [{transform_indices = #map}, {transform_indices = #map}, {transform_indices = #map}, {transform_indices = #map}, {transform_indices = #map1}]} {
    %mul3A = arith.constant 640 : i32
    %mul3A_0 = arith.muli %arg1, %mul3A : i32
    "tpu.region"() ({
      %run_scoped3A = tpu.sem_alloc : memref<!tpu.dma_semaphore, #tpu.memory_space<semaphore_mem>>
      %dma_start3A = arith.constant 0 : i32
      %dma_start3A_21 = tpu.memref_slice %arg10[%mul3A_0, %dma_start3A] : memref<10240x128xf32, #tpu.memory_space<vmem_shared>> -> memref<640x128xf32, #tpu.memory_space<vmem_shared>>
      %dma_start3A_22 = arith.constant 0 : i32
      %dma_start3A_23 = tpu.memref_slice %arg5[%mul3A_0, %dma_start3A_22] : memref<10240x128xf32, #tpu.memory_space<hbm>> -> memref<640x128xf32, #tpu.memory_space<hbm>>
      tpu.enqueue_dma source(%dma_start3A_23 : memref<640x128xf32, #tpu.memory_space<hbm>>) target(%dma_start3A_21 : memref<640x128xf32, #tpu.memory_space<vmem_shared>>) target_semaphore(%run_scoped3A : memref<!tpu.dma_semaphore, #tpu.memory_space<semaphore_mem>>)
      %dma_wait3A = arith.constant 0 : i32
      %dma_wait3A_24 = tpu.memref_slice %arg10[%mul3A_0, %dma_wait3A] : memref<10240x128xf32, #tpu.memory_space<vmem_shared>> -> memref<640x128xf32, #tpu.memory_space<vmem_shared>>
      %dma_wait3A_25 = arith.constant 0 : i32
      %dma_wait3A_26 = tpu.memref_slice %arg5[%mul3A_0, %dma_wait3A_25] : memref<10240x128xf32, #tpu.memory_space<hbm>> -> memref<640x128xf32, #tpu.memory_space<hbm>>
      tpu.wait_dma2 semaphore(%run_scoped3A : memref<!tpu.dma_semaphore, #tpu.memory_space<semaphore_mem>>) src(%dma_wait3A_26 : memref<640x128xf32, #tpu.memory_space<hbm>>) dst(%dma_wait3A_24 : memref<640x128xf32, #tpu.memory_space<vmem_shared>>)
      tpu.yield
    }) : () -> ()
    %eq3A = arith.constant 0 : i32
    %eq3A_1 = arith.cmpi eq, %arg0, %eq3A : i32
    %mul3A_2 = arith.constant 56 : i32
    %mul3A_3 = arith.muli %arg1, %mul3A_2 : i32
    %mul3A_4 = arith.constant 24 : i32
    %mul3A_5 = arith.muli %arg1, %mul3A_4 : i32
    %add3A = arith.constant 896 : i32
    %add3A_6 = arith.addi %add3A, %mul3A_5 : i32
    %select_n3A = arith.select %eq3A_1, %mul3A_3, %add3A_6 : i32
    %multiple_of3A = tpu.assume_multiple %select_n3A, 8 : i32
    "tpu.region"() ({
      %run_scoped3A = tpu.sem_alloc : memref<!tpu.dma_semaphore, #tpu.memory_space<semaphore_mem>>
      %dma_start3A = arith.constant 0 : i32
      %dma_start3A_21 = tpu.memref_slice %arg3[%multiple_of3A, %dma_start3A] : memref<1336x128xi32, #tpu.memory_space<hbm>> -> memref<56x128xi32, #tpu.memory_space<hbm>>
      %dma_start3A_22 = arith.constant 0 : i32
      %dma_start3A_23 = tpu.memref_slice %arg3[%multiple_of3A, %dma_start3A_22] : memref<1336x128xi32, #tpu.memory_space<hbm>> -> memref<56x128xi32, #tpu.memory_space<hbm>>
      tpu.enqueue_dma source(%dma_start3A_23 : memref<56x128xi32, #tpu.memory_space<hbm>>) target(%arg7 : memref<56x128xi32, #tpu.memory_space<vmem>>) target_semaphore(%run_scoped3A : memref<!tpu.dma_semaphore, #tpu.memory_space<semaphore_mem>>)
      %dma_wait3A = arith.constant 0 : i32
      %dma_wait3A_24 = tpu.memref_slice %arg3[%multiple_of3A, %dma_wait3A] : memref<1336x128xi32, #tpu.memory_space<hbm>> -> memref<56x128xi32, #tpu.memory_space<hbm>>
      %dma_wait3A_25 = arith.constant 0 : i32
      %dma_wait3A_26 = tpu.memref_slice %arg3[%multiple_of3A, %dma_wait3A_25] : memref<1336x128xi32, #tpu.memory_space<hbm>> -> memref<56x128xi32, #tpu.memory_space<hbm>>
      tpu.wait_dma2 semaphore(%run_scoped3A : memref<!tpu.dma_semaphore, #tpu.memory_space<semaphore_mem>>) src(%dma_wait3A_26 : memref<56x128xi32, #tpu.memory_space<hbm>>) dst(%arg7 : memref<56x128xi32, #tpu.memory_space<vmem>>)
      tpu.yield
    }) : () -> ()
    "tpu.region"() ({
      %run_scoped3A = tpu.sem_alloc : memref<!tpu.dma_semaphore, #tpu.memory_space<semaphore_mem>>
      %dma_start3A = arith.constant 0 : i32
      %dma_start3A_21 = tpu.memref_slice %arg4[%multiple_of3A, %dma_start3A] : memref<1336x128xi32, #tpu.memory_space<hbm>> -> memref<56x128xi32, #tpu.memory_space<hbm>>
      %dma_start3A_22 = arith.constant 0 : i32
      %dma_start3A_23 = tpu.memref_slice %arg4[%multiple_of3A, %dma_start3A_22] : memref<1336x128xi32, #tpu.memory_space<hbm>> -> memref<56x128xi32, #tpu.memory_space<hbm>>
      tpu.enqueue_dma source(%dma_start3A_23 : memref<56x128xi32, #tpu.memory_space<hbm>>) target(%arg8 : memref<56x128xi32, #tpu.memory_space<vmem>>) target_semaphore(%run_scoped3A : memref<!tpu.dma_semaphore, #tpu.memory_space<semaphore_mem>>)
      %dma_wait3A = arith.constant 0 : i32
      %dma_wait3A_24 = tpu.memref_slice %arg4[%multiple_of3A, %dma_wait3A] : memref<1336x128xi32, #tpu.memory_space<hbm>> -> memref<56x128xi32, #tpu.memory_space<hbm>>
      %dma_wait3A_25 = arith.constant 0 : i32
      %dma_wait3A_26 = tpu.memref_slice %arg4[%multiple_of3A, %dma_wait3A_25] : memref<1336x128xi32, #tpu.memory_space<hbm>> -> memref<56x128xi32, #tpu.memory_space<hbm>>
      tpu.wait_dma2 semaphore(%run_scoped3A : memref<!tpu.dma_semaphore, #tpu.memory_space<semaphore_mem>>) src(%dma_wait3A_26 : memref<56x128xi32, #tpu.memory_space<hbm>>) dst(%arg8 : memref<56x128xi32, #tpu.memory_space<vmem>>)
      tpu.yield
    }) : () -> ()
    %eq3A_7 = arith.constant 0 : i32
    %eq3A_8 = arith.cmpi eq, %arg0, %eq3A_7 : i32
    %jit3A = arith.constant 56 : i32
    %jit3A_9 = arith.constant 24 : i32
    %select_n3A_10 = arith.select %eq3A_8, %jit3A, %jit3A_9 : i32
    %barrier3A = arith.constant 0 : index
    tpu.barrier barrier_id(%barrier3A)
    %while3A = arith.constant 0 : i32
    %while3A_11 = arith.constant 0 : i32
    %while3A_12 = arith.subi %select_n3A_10, %while3A_11 : i32
    %while3A_13 = arith.addi %while3A_11, %while3A_12 : i32
    %while3A_14 = arith.constant 1 : i32
    %while3A_15 = arith.divsi %while3A_12, %while3A_14 : i32
    %while3A_16 = arith.muli %while3A_15, %while3A_14 : i32
    %while3A_17 = arith.addi %while3A_11, %while3A_16 : i32
    %while3A_18 = arith.constant 1 : i32
    scf.for %while3A_21 = %while3A_11 to %while3A_17 step %while3A_18  : i32 {
      %dma_start3A = arith.constant 0 : i32
      %dma_start3A_22 = tpu.memref_slice %arg7[%while3A_21, %dma_start3A] : memref<56x128xi32, #tpu.memory_space<vmem>> -> memref<1x128xi32, #tpu.memory_space<vmem>>
      %dma_start3A_23 = tpu.memref_squeeze %dma_start3A_22 : memref<1x128xi32, #tpu.memory_space<vmem>> -> memref<128xi32, #tpu.memory_space<vmem>>
      %dma_start3A_24 = arith.constant 0 : i32
      %dma_start3A_25 = arith.constant 0 : i32
      %dma_start3A_26 = tpu.memref_slice %arg2[%dma_start3A_24, %dma_start3A_25] : memref<10240x128xf32, #tpu.memory_space<hbm>> -> memref<10240x128xf32, #tpu.memory_space<hbm>>
      tpu.enqueue_indirect_dma source(%dma_start3A_26 : memref<10240x128xf32, #tpu.memory_space<hbm>>) target(%arg9 : memref<128x128xf32, #tpu.memory_space<vmem>>) offsets(%dma_start3A_23 : memref<128xi32, #tpu.memory_space<vmem>>) semaphore(%arg11 : memref<!tpu.dma_semaphore, #tpu.memory_space<semaphore_mem>>)
      %dma_wait3A = arith.constant 0 : i32
      %dma_wait3A_27 = tpu.memref_slice %arg7[%while3A_21, %dma_wait3A] : memref<56x128xi32, #tpu.memory_space<vmem>> -> memref<1x128xi32, #tpu.memory_space<vmem>>
      %dma_wait3A_28 = tpu.memref_squeeze %dma_wait3A_27 : memref<1x128xi32, #tpu.memory_space<vmem>> -> memref<128xi32, #tpu.memory_space<vmem>>
      %dma_wait3A_29 = arith.constant 0 : i32
      %dma_wait3A_30 = arith.constant 0 : i32
      %dma_wait3A_31 = tpu.memref_slice %arg2[%dma_wait3A_29, %dma_wait3A_30] : memref<10240x128xf32, #tpu.memory_space<hbm>> -> memref<10240x128xf32, #tpu.memory_space<hbm>>
      tpu.wait_indirect_dma semaphore(%arg11 : memref<!tpu.dma_semaphore, #tpu.memory_space<semaphore_mem>>) src(%dma_wait3A_31 : memref<10240x128xf32, #tpu.memory_space<hbm>>) dst(%arg9 : memref<128x128xf32, #tpu.memory_space<vmem>>)
      "tpu.region"() ({
        %run_scoped3A = tpu.sem_alloc : memref<!tpu.dma_semaphore, #tpu.memory_space<semaphore_mem>>
        %dma_start3A_32 = arith.constant 0 : i32
        %dma_start3A_33 = tpu.memref_slice %arg8[%while3A_21, %dma_start3A_32] : memref<56x128xi32, #tpu.memory_space<vmem>> -> memref<1x128xi32, #tpu.memory_space<vmem>>
        %dma_start3A_34 = tpu.memref_squeeze %dma_start3A_33 : memref<1x128xi32, #tpu.memory_space<vmem>> -> memref<128xi32, #tpu.memory_space<vmem>>
        %dma_start3A_35 = arith.constant 0 : i32
        %dma_start3A_36 = arith.constant 0 : i32
        %dma_start3A_37 = tpu.memref_slice %arg10[%dma_start3A_35, %dma_start3A_36] : memref<10240x128xf32, #tpu.memory_space<vmem_shared>> -> memref<10240x128xf32, #tpu.memory_space<vmem_shared>>
        tpu.enqueue_indirect_dma source(%arg9 : memref<128x128xf32, #tpu.memory_space<vmem>>) target(%dma_start3A_37 : memref<10240x128xf32, #tpu.memory_space<vmem_shared>>) offsets(%dma_start3A_34 : memref<128xi32, #tpu.memory_space<vmem>>) semaphore(%run_scoped3A : memref<!tpu.dma_semaphore, #tpu.memory_space<semaphore_mem>>) {add = true}
        %dma_wait3A_38 = arith.constant 0 : i32
        %dma_wait3A_39 = tpu.memref_slice %arg8[%while3A_21, %dma_wait3A_38] : memref<56x128xi32, #tpu.memory_space<vmem>> -> memref<1x128xi32, #tpu.memory_space<vmem>>
        %dma_wait3A_40 = tpu.memref_squeeze %dma_wait3A_39 : memref<1x128xi32, #tpu.memory_space<vmem>> -> memref<128xi32, #tpu.memory_space<vmem>>
        %dma_wait3A_41 = arith.constant 0 : i32
        %dma_wait3A_42 = arith.constant 0 : i32
        %dma_wait3A_43 = tpu.memref_slice %arg10[%dma_wait3A_41, %dma_wait3A_42] : memref<10240x128xf32, #tpu.memory_space<vmem_shared>> -> memref<10240x128xf32, #tpu.memory_space<vmem_shared>>
        tpu.wait_indirect_dma semaphore(%run_scoped3A : memref<!tpu.dma_semaphore, #tpu.memory_space<semaphore_mem>>) src(%arg9 : memref<128x128xf32, #tpu.memory_space<vmem>>) dst(%dma_wait3A_43 : memref<10240x128xf32, #tpu.memory_space<vmem_shared>>)
        tpu.yield
      }) : () -> ()
    }
    %while3A_19 = arith.constant 1 : i32
    scf.for %while3A_21 = %while3A_17 to %while3A_13 step %while3A_19  : i32 {
      %dma_start3A = arith.constant 0 : i32
      %dma_start3A_22 = tpu.memref_slice %arg7[%while3A_21, %dma_start3A] : memref<56x128xi32, #tpu.memory_space<vmem>> -> memref<1x128xi32, #tpu.memory_space<vmem>>
      %dma_start3A_23 = tpu.memref_squeeze %dma_start3A_22 : memref<1x128xi32, #tpu.memory_space<vmem>> -> memref<128xi32, #tpu.memory_space<vmem>>
      %dma_start3A_24 = arith.constant 0 : i32
      %dma_start3A_25 = arith.constant 0 : i32
      %dma_start3A_26 = tpu.memref_slice %arg2[%dma_start3A_24, %dma_start3A_25] : memref<10240x128xf32, #tpu.memory_space<hbm>> -> memref<10240x128xf32, #tpu.memory_space<hbm>>
      tpu.enqueue_indirect_dma source(%dma_start3A_26 : memref<10240x128xf32, #tpu.memory_space<hbm>>) target(%arg9 : memref<128x128xf32, #tpu.memory_space<vmem>>) offsets(%dma_start3A_23 : memref<128xi32, #tpu.memory_space<vmem>>) semaphore(%arg11 : memref<!tpu.dma_semaphore, #tpu.memory_space<semaphore_mem>>)
      %dma_wait3A = arith.constant 0 : i32
      %dma_wait3A_27 = tpu.memref_slice %arg7[%while3A_21, %dma_wait3A] : memref<56x128xi32, #tpu.memory_space<vmem>> -> memref<1x128xi32, #tpu.memory_space<vmem>>
      %dma_wait3A_28 = tpu.memref_squeeze %dma_wait3A_27 : memref<1x128xi32, #tpu.memory_space<vmem>> -> memref<128xi32, #tpu.memory_space<vmem>>
      %dma_wait3A_29 = arith.constant 0 : i32
      %dma_wait3A_30 = arith.constant 0 : i32
      %dma_wait3A_31 = tpu.memref_slice %arg2[%dma_wait3A_29, %dma_wait3A_30] : memref<10240x128xf32, #tpu.memory_space<hbm>> -> memref<10240x128xf32, #tpu.memory_space<hbm>>
      tpu.wait_indirect_dma semaphore(%arg11 : memref<!tpu.dma_semaphore, #tpu.memory_space<semaphore_mem>>) src(%dma_wait3A_31 : memref<10240x128xf32, #tpu.memory_space<hbm>>) dst(%arg9 : memref<128x128xf32, #tpu.memory_space<vmem>>)
      "tpu.region"() ({
        %run_scoped3A = tpu.sem_alloc : memref<!tpu.dma_semaphore, #tpu.memory_space<semaphore_mem>>
        %dma_start3A_32 = arith.constant 0 : i32
        %dma_start3A_33 = tpu.memref_slice %arg8[%while3A_21, %dma_start3A_32] : memref<56x128xi32, #tpu.memory_space<vmem>> -> memref<1x128xi32, #tpu.memory_space<vmem>>
        %dma_start3A_34 = tpu.memref_squeeze %dma_start3A_33 : memref<1x128xi32, #tpu.memory_space<vmem>> -> memref<128xi32, #tpu.memory_space<vmem>>
        %dma_start3A_35 = arith.constant 0 : i32
        %dma_start3A_36 = arith.constant 0 : i32
        %dma_start3A_37 = tpu.memref_slice %arg10[%dma_start3A_35, %dma_start3A_36] : memref<10240x128xf32, #tpu.memory_space<vmem_shared>> -> memref<10240x128xf32, #tpu.memory_space<vmem_shared>>
        tpu.enqueue_indirect_dma source(%arg9 : memref<128x128xf32, #tpu.memory_space<vmem>>) target(%dma_start3A_37 : memref<10240x128xf32, #tpu.memory_space<vmem_shared>>) offsets(%dma_start3A_34 : memref<128xi32, #tpu.memory_space<vmem>>) semaphore(%run_scoped3A : memref<!tpu.dma_semaphore, #tpu.memory_space<semaphore_mem>>) {add = true}
        %dma_wait3A_38 = arith.constant 0 : i32
        %dma_wait3A_39 = tpu.memref_slice %arg8[%while3A_21, %dma_wait3A_38] : memref<56x128xi32, #tpu.memory_space<vmem>> -> memref<1x128xi32, #tpu.memory_space<vmem>>
        %dma_wait3A_40 = tpu.memref_squeeze %dma_wait3A_39 : memref<1x128xi32, #tpu.memory_space<vmem>> -> memref<128xi32, #tpu.memory_space<vmem>>
        %dma_wait3A_41 = arith.constant 0 : i32
        %dma_wait3A_42 = arith.constant 0 : i32
        %dma_wait3A_43 = tpu.memref_slice %arg10[%dma_wait3A_41, %dma_wait3A_42] : memref<10240x128xf32, #tpu.memory_space<vmem_shared>> -> memref<10240x128xf32, #tpu.memory_space<vmem_shared>>
        tpu.wait_indirect_dma semaphore(%run_scoped3A : memref<!tpu.dma_semaphore, #tpu.memory_space<semaphore_mem>>) src(%arg9 : memref<128x128xf32, #tpu.memory_space<vmem>>) dst(%dma_wait3A_43 : memref<10240x128xf32, #tpu.memory_space<vmem_shared>>)
        tpu.yield
      }) : () -> ()
    }
    %barrier3A_20 = arith.constant 0 : index
    tpu.barrier barrier_id(%barrier3A_20)
    "tpu.region"() ({
      %run_scoped3A = tpu.sem_alloc : memref<!tpu.dma_semaphore, #tpu.memory_space<semaphore_mem>>
      %dma_start3A = arith.constant 0 : i32
      %dma_start3A_21 = tpu.memref_slice %arg6[%arg0, %mul3A_0, %dma_start3A] : memref<2x10240x128xf32, #tpu.memory_space<hbm>> -> memref<1x640x128xf32, #tpu.memory_space<hbm>>
      %dma_start3A_22 = tpu.memref_squeeze %dma_start3A_21 : memref<1x640x128xf32, #tpu.memory_space<hbm>> -> memref<640x128xf32, #tpu.memory_space<hbm>>
      %dma_start3A_23 = arith.constant 0 : i32
      %dma_start3A_24 = tpu.memref_slice %arg10[%mul3A_0, %dma_start3A_23] : memref<10240x128xf32, #tpu.memory_space<vmem_shared>> -> memref<640x128xf32, #tpu.memory_space<vmem_shared>>
      tpu.enqueue_dma source(%dma_start3A_24 : memref<640x128xf32, #tpu.memory_space<vmem_shared>>) target(%dma_start3A_22 : memref<640x128xf32, #tpu.memory_space<hbm>>) target_semaphore(%run_scoped3A : memref<!tpu.dma_semaphore, #tpu.memory_space<semaphore_mem>>)
      %dma_wait3A = arith.constant 0 : i32
      %dma_wait3A_25 = tpu.memref_slice %arg6[%arg0, %mul3A_0, %dma_wait3A] : memref<2x10240x128xf32, #tpu.memory_space<hbm>> -> memref<1x640x128xf32, #tpu.memory_space<hbm>>
      %dma_wait3A_26 = tpu.memref_squeeze %dma_wait3A_25 : memref<1x640x128xf32, #tpu.memory_space<hbm>> -> memref<640x128xf32, #tpu.memory_space<hbm>>
      %dma_wait3A_27 = arith.constant 0 : i32
      %dma_wait3A_28 = tpu.memref_slice %arg10[%mul3A_0, %dma_wait3A_27] : memref<10240x128xf32, #tpu.memory_space<vmem_shared>> -> memref<640x128xf32, #tpu.memory_space<vmem_shared>>
      tpu.wait_dma2 semaphore(%run_scoped3A : memref<!tpu.dma_semaphore, #tpu.memory_space<semaphore_mem>>) src(%dma_wait3A_28 : memref<640x128xf32, #tpu.memory_space<vmem_shared>>) dst(%dma_wait3A_26 : memref<640x128xf32, #tpu.memory_space<hbm>>)
      tpu.yield
    }) : () -> ()
    return
  }
}

module attributes {stable_mosaic.version = 14 : i64} {
  func.func @_mm1_body(%arg0: i32, %arg1: memref<1024x128xf32, #tpu.memory_space<vmem>>, %arg2: memref<128x1024xf32, #tpu.memory_space<vmem>>, %arg3: memref<1024xf32, #tpu.memory_space<vmem>>, %arg4: memref<1024x1024xf32, #tpu.memory_space<vmem>>, %arg5: memref<1024xf32, #tpu.memory_space<vmem>>, %arg6: memref<1024xf32, #tpu.memory_space<vmem>>) attributes {dimension_semantics = [#tpu.dimension_semantics<arbitrary>], iteration_bounds = array<i64: 10>, scalar_prefetch = 0 : i64, scratch_operands = 0 : i64, tpu.core_type = #tpu.core_type<tc>, window_params = [{transform_indices = @transform_0, window_bounds = array<i64: 1024, 128>}, {pipeline_mode = #tpu.pipeline_mode<synchronous>, transform_indices = @transform_1, window_bounds = array<i64: 128, 1024>}, {pipeline_mode = #tpu.pipeline_mode<synchronous>, transform_indices = @transform_2, window_bounds = array<i64: 1024>}, {transform_indices = @transform_3, window_bounds = array<i64: 1024, 1024>}, {pipeline_mode = #tpu.pipeline_mode<synchronous>, transform_indices = @transform_4, window_bounds = array<i64: 1024>}, {pipeline_mode = #tpu.pipeline_mode<synchronous>, transform_indices = @transform_5, window_bounds = array<i64: 1024>}]} {
    %get3A = arith.constant 0 : index
    %get3A_0 = arith.constant 0 : index
    %get3A_1 = vector.load %arg1[%get3A, %get3A_0] : memref<1024x128xf32, #tpu.memory_space<vmem>>, vector<1024x128xf32>
    %get3A_2 = arith.constant 0 : index
    %get3A_3 = arith.constant 0 : index
    %get3A_4 = vector.load %arg2[%get3A_2, %get3A_3] : memref<128x1024xf32, #tpu.memory_space<vmem>>, vector<128x1024xf32>
    %dot_general3A = arith.constant dense<0.000000e+00> : vector<1024x1024xf32>
    %dot_general3A_5 = tpu.matmul %get3A_1, %get3A_4, %dot_general3A {dimension_numbers = #tpu.dot_dimension_numbers<[1], [0], [0], [1], [0, 0, 1, 1], [], []>, precision = #tpu.contract_precision<fp32>, transpose_lhs_hint = false} : vector<1024x128xf32>, vector<128x1024xf32>, vector<1024x1024xf32> -> vector<1024x1024xf32>
    %get3A_6 = arith.constant 0 : index
    %get3A_7 = vector.load %arg3[%get3A_6] : memref<1024xf32, #tpu.memory_space<vmem>>, vector<1024xf32>
    %broadcast_in_dim3A = vector.shape_cast %get3A_7 : vector<1024xf32> to vector<1x1024xf32>
    %add3A = vector.broadcast %broadcast_in_dim3A : vector<1x1024xf32> to vector<1024x1024xf32>
    %add3A_8 = arith.addf %dot_general3A_5, %add3A : vector<1024x1024xf32>
    %swap3A = arith.constant 0 : index
    %swap3A_9 = arith.constant 0 : index
    %swap3A_10 = vector.load %arg4[%swap3A, %swap3A_9] : memref<1024x1024xf32, #tpu.memory_space<vmem>>, vector<1024x1024xf32>
    tpu.vector_store %arg4[%swap3A, %swap3A_9], %add3A_8 {strides = array<i32>} : memref<1024x1024xf32, #tpu.memory_space<vmem>>, vector<1024x1024xf32>,
    %iota3A = tpu.iota {dimensions = array<i32: 0>} : vector<1024x1xi32>
    %mul3A = arith.constant 1024 : i32
    %mul3A_11 = arith.muli %arg0, %mul3A : i32
    %add3A_12 = vector.broadcast %mul3A_11 : i32 to vector<1024x1xi32>
    %add3A_13 = arith.addi %iota3A, %add3A_12 : vector<1024x1xi32>
    %lt3A = arith.constant 10000 : i32
    %lt3A_14 = vector.broadcast %lt3A : i32 to vector<1024x1xi32>
    %lt3A_15 = arith.cmpi slt, %add3A_13, %lt3A_14 : vector<1024x1xi32>
    %jit3A = arith.constant 0.000000e+00 : f32
    %broadcast_in_dim3A_16 = vector.shape_cast %lt3A_15 : vector<1024x1xi1> to vector<1024x1xi1>
    %broadcast_in_dim3A_17 = vector.broadcast %broadcast_in_dim3A_16 : vector<1024x1xi1> to vector<1024x1024xi1>
    %broadcast_in_dim3A_18 = vector.broadcast %jit3A : f32 to vector<1024x1024xf32>
    %select_n3A = arith.select %broadcast_in_dim3A_17, %add3A_8, %broadcast_in_dim3A_18 : vector<1024x1024xi1>, vector<1024x1024xf32>
    %reduce_sum3A = arith.constant dense<0.000000e+00> : vector<1024xf32>
    %reduce_sum3A_19 = vector.multi_reduction <add>, %select_n3A, %reduce_sum3A [0] : vector<1024x1024xf32> to vector<1024xf32>
    %mul3A_20 = arith.mulf %select_n3A, %select_n3A : vector<1024x1024xf32>
    %reduce_sum3A_21 = arith.constant dense<0.000000e+00> : vector<1024xf32>
    %reduce_sum3A_22 = vector.multi_reduction <add>, %mul3A_20, %reduce_sum3A_21 [0] : vector<1024x1024xf32> to vector<1024xf32>
    %eq3A = arith.constant 0 : i32
    %eq3A_23 = arith.cmpi eq, %arg0, %eq3A : i32
    %convert_element_type3A = arith.extui %eq3A_23 : i1 to i32
    %cond3A = arith.constant 0 : i32
    %cond3A_24 = arith.cmpi ne, %convert_element_type3A, %cond3A : i32
    scf.if %cond3A_24 {
      %swap3A_29 = arith.constant 0 : index
      %swap3A_30 = vector.load %arg5[%swap3A_29] : memref<1024xf32, #tpu.memory_space<vmem>>, vector<1024xf32>
      tpu.vector_store %arg5[%swap3A_29], %reduce_sum3A_19 {strides = array<i32>} : memref<1024xf32, #tpu.memory_space<vmem>>, vector<1024xf32>,
      %swap3A_31 = arith.constant 0 : index
      %swap3A_32 = vector.load %arg6[%swap3A_31] : memref<1024xf32, #tpu.memory_space<vmem>>, vector<1024xf32>
      tpu.vector_store %arg6[%swap3A_31], %reduce_sum3A_22 {strides = array<i32>} : memref<1024xf32, #tpu.memory_space<vmem>>, vector<1024xf32>,
    } else {
    }
    %gt3A = arith.constant 0 : i32
    %gt3A_25 = arith.cmpi sgt, %arg0, %gt3A : i32
    %convert_element_type3A_26 = arith.extui %gt3A_25 : i1 to i32
    %cond3A_27 = arith.constant 0 : i32
    %cond3A_28 = arith.cmpi ne, %convert_element_type3A_26, %cond3A_27 : i32
    scf.if %cond3A_28 {
      %get3A_29 = arith.constant 0 : index
      %get3A_30 = vector.load %arg5[%get3A_29] : memref<1024xf32, #tpu.memory_space<vmem>>, vector<1024xf32>
      %add3A_31 = arith.addf %get3A_30, %reduce_sum3A_19 : vector<1024xf32>
      %swap3A_32 = arith.constant 0 : index
      %swap3A_33 = vector.load %arg5[%swap3A_32] : memref<1024xf32, #tpu.memory_space<vmem>>, vector<1024xf32>
      tpu.vector_store %arg5[%swap3A_32], %add3A_31 {strides = array<i32>} : memref<1024xf32, #tpu.memory_space<vmem>>, vector<1024xf32>,
      %get3A_34 = arith.constant 0 : index
      %get3A_35 = vector.load %arg6[%get3A_34] : memref<1024xf32, #tpu.memory_space<vmem>>, vector<1024xf32>
      %add3A_36 = arith.addf %get3A_35, %reduce_sum3A_22 : vector<1024xf32>
      %swap3A_37 = arith.constant 0 : index
      %swap3A_38 = vector.load %arg6[%swap3A_37] : memref<1024xf32, #tpu.memory_space<vmem>>, vector<1024xf32>
      tpu.vector_store %arg6[%swap3A_37], %add3A_36 {strides = array<i32>} : memref<1024xf32, #tpu.memory_space<vmem>>, vector<1024xf32>,
    } else {
    }
    return
  }
  func.func @transform_0(%arg0: i32) -> (i32, i32) {
    %c0_i32 = arith.constant 0 : i32
    %c0_i32_0 = arith.constant 0 : i32
    return %arg0, %c0_i32 : i32, i32
  }
  func.func @transform_1(%arg0: i32) -> (i32, i32) {
    %c0_i32 = arith.constant 0 : i32
    %c0_i32_0 = arith.constant 0 : i32
    %c0_i32_1 = arith.constant 0 : i32
    return %c0_i32, %c0_i32_0 : i32, i32
  }
  func.func @transform_2(%arg0: i32) -> i32 {
    %c0_i32 = arith.constant 0 : i32
    %c0_i32_0 = arith.constant 0 : i32
    return %c0_i32 : i32
  }
  func.func @transform_3(%arg0: i32) -> (i32, i32) {
    %c0_i32 = arith.constant 0 : i32
    %c0_i32_0 = arith.constant 0 : i32
    return %arg0, %c0_i32 : i32, i32
  }
  func.func @transform_4(%arg0: i32) -> i32 {
    %c0_i32 = arith.constant 0 : i32
    %c0_i32_0 = arith.constant 0 : i32
    return %c0_i32 : i32
  }
  func.func @transform_5(%arg0: i32) -> i32 {
    %c0_i32 = arith.constant 0 : i32
    %c0_i32_0 = arith.constant 0 : i32
    return %c0_i32 : i32
  }
}

module attributes {stable_mosaic.version = 14 : i64} {
  func.func @_mm2_body(%arg0: i32, %arg1: memref<1024x1024xf32, #tpu.memory_space<vmem>>, %arg2: memref<1024xf32, #tpu.memory_space<vmem>>, %arg3: memref<1024xf32, #tpu.memory_space<vmem>>, %arg4: memref<1024xf32, #tpu.memory_space<vmem>>, %arg5: memref<1024xf32, #tpu.memory_space<vmem>>, %arg6: memref<1024x512xf32, #tpu.memory_space<vmem>>, %arg7: memref<512xf32, #tpu.memory_space<vmem>>, %arg8: memref<1024x512xf32, #tpu.memory_space<vmem>>, %arg9: memref<512xf32, #tpu.memory_space<vmem>>, %arg10: memref<512xf32, #tpu.memory_space<vmem>>) attributes {dimension_semantics = [#tpu.dimension_semantics<arbitrary>], iteration_bounds = array<i64: 10>, scalar_prefetch = 0 : i64, scratch_operands = 0 : i64, tpu.core_type = #tpu.core_type<tc>, window_params = [{transform_indices = @transform_0, window_bounds = array<i64: 1024, 1024>}, {pipeline_mode = #tpu.pipeline_mode<synchronous>, transform_indices = @transform_1, window_bounds = array<i64: 1024>}, {pipeline_mode = #tpu.pipeline_mode<synchronous>, transform_indices = @transform_2, window_bounds = array<i64: 1024>}, {pipeline_mode = #tpu.pipeline_mode<synchronous>, transform_indices = @transform_3, window_bounds = array<i64: 1024>}, {pipeline_mode = #tpu.pipeline_mode<synchronous>, transform_indices = @transform_4, window_bounds = array<i64: 1024>}, {pipeline_mode = #tpu.pipeline_mode<synchronous>, transform_indices = @transform_5, window_bounds = array<i64: 1024, 512>}, {pipeline_mode = #tpu.pipeline_mode<synchronous>, transform_indices = @transform_6, window_bounds = array<i64: 512>}, {transform_indices = @transform_7, window_bounds = array<i64: 1024, 512>}, {pipeline_mode = #tpu.pipeline_mode<synchronous>, transform_indices = @transform_8, window_bounds = array<i64: 512>}, {pipeline_mode = #tpu.pipeline_mode<synchronous>, transform_indices = @transform_9, window_bounds = array<i64: 512>}]} {
    %get3A = arith.constant 0 : index
    %get3A_0 = vector.load %arg2[%get3A] : memref<1024xf32, #tpu.memory_space<vmem>>, vector<1024xf32>
    %div3A = arith.constant 1.000000e+04 : f32
    %div3A_1 = vector.broadcast %div3A : f32 to vector<1024xf32>
    %div3A_2 = arith.divf %get3A_0, %div3A_1 : vector<1024xf32>
    %get3A_3 = arith.constant 0 : index
    %get3A_4 = vector.load %arg3[%get3A_3] : memref<1024xf32, #tpu.memory_space<vmem>>, vector<1024xf32>
    %div3A_5 = arith.constant 1.000000e+04 : f32
    %div3A_6 = vector.broadcast %div3A_5 : f32 to vector<1024xf32>
    %div3A_7 = arith.divf %get3A_4, %div3A_6 : vector<1024xf32>
    %mul3A = arith.mulf %div3A_2, %div3A_2 : vector<1024xf32>
    %sub3A = arith.subf %div3A_7, %mul3A : vector<1024xf32>
    %get3A_8 = arith.constant 0 : index
    %get3A_9 = vector.load %arg4[%get3A_8] : memref<1024xf32, #tpu.memory_space<vmem>>, vector<1024xf32>
    %add3A = arith.constant 9.99999974E-6 : f32
    %add3A_10 = vector.broadcast %add3A : f32 to vector<1024xf32>
    %add3A_11 = arith.addf %sub3A, %add3A_10 : vector<1024xf32>
    %rsqrt3A = math.rsqrt %add3A_11 : vector<1024xf32>
    %mul3A_12 = arith.mulf %get3A_9, %rsqrt3A : vector<1024xf32>
    %get3A_13 = arith.constant 0 : index
    %get3A_14 = vector.load %arg5[%get3A_13] : memref<1024xf32, #tpu.memory_space<vmem>>, vector<1024xf32>
    %mul3A_15 = arith.mulf %div3A_2, %mul3A_12 : vector<1024xf32>
    %sub3A_16 = arith.subf %get3A_14, %mul3A_15 : vector<1024xf32>
    %get3A_17 = arith.constant 0 : index
    %get3A_18 = arith.constant 0 : index
    %get3A_19 = vector.load %arg1[%get3A_17, %get3A_18] : memref<1024x1024xf32, #tpu.memory_space<vmem>>, vector<1024x1024xf32>
    %broadcast_in_dim3A = vector.shape_cast %mul3A_12 : vector<1024xf32> to vector<1x1024xf32>
    %mul3A_20 = vector.broadcast %broadcast_in_dim3A : vector<1x1024xf32> to vector<1024x1024xf32>
    %mul3A_21 = arith.mulf %get3A_19, %mul3A_20 : vector<1024x1024xf32>
    %broadcast_in_dim3A_22 = vector.shape_cast %sub3A_16 : vector<1024xf32> to vector<1x1024xf32>
    %add3A_23 = vector.broadcast %broadcast_in_dim3A_22 : vector<1x1024xf32> to vector<1024x1024xf32>
    %add3A_24 = arith.addf %mul3A_21, %add3A_23 : vector<1024x1024xf32>
    %ge3A = arith.constant 0.000000e+00 : f32
    %ge3A_25 = vector.broadcast %ge3A : f32 to vector<1024x1024xf32>
    %ge3A_26 = arith.cmpf oge, %add3A_24, %ge3A_25 : vector<1024x1024xf32>
    %mul3A_27 = arith.constant 2.000000e-01 : f32
    %mul3A_28 = vector.broadcast %mul3A_27 : f32 to vector<1024x1024xf32>
    %mul3A_29 = arith.mulf %mul3A_28, %add3A_24 : vector<1024x1024xf32>
    %select_n3A = arith.select %ge3A_26, %add3A_24, %mul3A_29 : vector<1024x1024xi1>, vector<1024x1024xf32>
    %get3A_30 = arith.constant 0 : index
    %get3A_31 = arith.constant 0 : index
    %get3A_32 = vector.load %arg6[%get3A_30, %get3A_31] : memref<1024x512xf32, #tpu.memory_space<vmem>>, vector<1024x512xf32>
    %dot_general3A = arith.constant dense<0.000000e+00> : vector<1024x512xf32>
    %dot_general3A_33 = tpu.matmul %select_n3A, %get3A_32, %dot_general3A {dimension_numbers = #tpu.dot_dimension_numbers<[1], [0], [0], [1], [0, 0, 1, 1], [], []>, precision = #tpu.contract_precision<fp32>, transpose_lhs_hint = false} : vector<1024x1024xf32>, vector<1024x512xf32>, vector<1024x512xf32> -> vector<1024x512xf32>
    %get3A_34 = arith.constant 0 : index
    %get3A_35 = vector.load %arg7[%get3A_34] : memref<512xf32, #tpu.memory_space<vmem>>, vector<512xf32>
    %broadcast_in_dim3A_36 = vector.shape_cast %get3A_35 : vector<512xf32> to vector<1x512xf32>
    %add3A_37 = vector.broadcast %broadcast_in_dim3A_36 : vector<1x512xf32> to vector<1024x512xf32>
    %add3A_38 = arith.addf %dot_general3A_33, %add3A_37 : vector<1024x512xf32>
    %swap3A = arith.constant 0 : index
    %swap3A_39 = arith.constant 0 : index
    %swap3A_40 = vector.load %arg8[%swap3A, %swap3A_39] : memref<1024x512xf32, #tpu.memory_space<vmem>>, vector<1024x512xf32>
    tpu.vector_store %arg8[%swap3A, %swap3A_39], %add3A_38 {strides = array<i32>} : memref<1024x512xf32, #tpu.memory_space<vmem>>, vector<1024x512xf32>,
    %iota3A = tpu.iota {dimensions = array<i32: 0>} : vector<1024x1xi32>
    %mul3A_41 = arith.constant 1024 : i32
    %mul3A_42 = arith.muli %arg0, %mul3A_41 : i32
    %add3A_43 = vector.broadcast %mul3A_42 : i32 to vector<1024x1xi32>
    %add3A_44 = arith.addi %iota3A, %add3A_43 : vector<1024x1xi32>
    %lt3A = arith.constant 10000 : i32
    %lt3A_45 = vector.broadcast %lt3A : i32 to vector<1024x1xi32>
    %lt3A_46 = arith.cmpi slt, %add3A_44, %lt3A_45 : vector<1024x1xi32>
    %jit3A = arith.constant 0.000000e+00 : f32
    %broadcast_in_dim3A_47 = vector.shape_cast %lt3A_46 : vector<1024x1xi1> to vector<1024x1xi1>
    %broadcast_in_dim3A_48 = vector.broadcast %broadcast_in_dim3A_47 : vector<1024x1xi1> to vector<1024x512xi1>
    %broadcast_in_dim3A_49 = vector.broadcast %jit3A : f32 to vector<1024x512xf32>
    %select_n3A_50 = arith.select %broadcast_in_dim3A_48, %add3A_38, %broadcast_in_dim3A_49 : vector<1024x512xi1>, vector<1024x512xf32>
    %reduce_sum3A = arith.constant dense<0.000000e+00> : vector<512xf32>
    %reduce_sum3A_51 = vector.multi_reduction <add>, %select_n3A_50, %reduce_sum3A [0] : vector<1024x512xf32> to vector<512xf32>
    %mul3A_52 = arith.mulf %select_n3A_50, %select_n3A_50 : vector<1024x512xf32>
    %reduce_sum3A_53 = arith.constant dense<0.000000e+00> : vector<512xf32>
    %reduce_sum3A_54 = vector.multi_reduction <add>, %mul3A_52, %reduce_sum3A_53 [0] : vector<1024x512xf32> to vector<512xf32>
    %eq3A = arith.constant 0 : i32
    %eq3A_55 = arith.cmpi eq, %arg0, %eq3A : i32
    %convert_element_type3A = arith.extui %eq3A_55 : i1 to i32
    %cond3A = arith.constant 0 : i32
    %cond3A_56 = arith.cmpi ne, %convert_element_type3A, %cond3A : i32
    scf.if %cond3A_56 {
      %swap3A_61 = arith.constant 0 : index
      %swap3A_62 = vector.load %arg9[%swap3A_61] : memref<512xf32, #tpu.memory_space<vmem>>, vector<512xf32>
      tpu.vector_store %arg9[%swap3A_61], %reduce_sum3A_51 {strides = array<i32>} : memref<512xf32, #tpu.memory_space<vmem>>, vector<512xf32>,
      %swap3A_63 = arith.constant 0 : index
      %swap3A_64 = vector.load %arg10[%swap3A_63] : memref<512xf32, #tpu.memory_space<vmem>>, vector<512xf32>
      tpu.vector_store %arg10[%swap3A_63], %reduce_sum3A_54 {strides = array<i32>} : memref<512xf32, #tpu.memory_space<vmem>>, vector<512xf32>,
    } else {
    }
    %gt3A = arith.constant 0 : i32
    %gt3A_57 = arith.cmpi sgt, %arg0, %gt3A : i32
    %convert_element_type3A_58 = arith.extui %gt3A_57 : i1 to i32
    %cond3A_59 = arith.constant 0 : i32
    %cond3A_60 = arith.cmpi ne, %convert_element_type3A_58, %cond3A_59 : i32
    scf.if %cond3A_60 {
      %get3A_61 = arith.constant 0 : index
      %get3A_62 = vector.load %arg9[%get3A_61] : memref<512xf32, #tpu.memory_space<vmem>>, vector<512xf32>
      %add3A_63 = arith.addf %get3A_62, %reduce_sum3A_51 : vector<512xf32>
      %swap3A_64 = arith.constant 0 : index
      %swap3A_65 = vector.load %arg9[%swap3A_64] : memref<512xf32, #tpu.memory_space<vmem>>, vector<512xf32>
      tpu.vector_store %arg9[%swap3A_64], %add3A_63 {strides = array<i32>} : memref<512xf32, #tpu.memory_space<vmem>>, vector<512xf32>,
      %get3A_66 = arith.constant 0 : index
      %get3A_67 = vector.load %arg10[%get3A_66] : memref<512xf32, #tpu.memory_space<vmem>>, vector<512xf32>
      %add3A_68 = arith.addf %get3A_67, %reduce_sum3A_54 : vector<512xf32>
      %swap3A_69 = arith.constant 0 : index
      %swap3A_70 = vector.load %arg10[%swap3A_69] : memref<512xf32, #tpu.memory_space<vmem>>, vector<512xf32>
      tpu.vector_store %arg10[%swap3A_69], %add3A_68 {strides = array<i32>} : memref<512xf32, #tpu.memory_space<vmem>>, vector<512xf32>,
    } else {
    }
    return
  }
  func.func @transform_0(%arg0: i32) -> (i32, i32) {
    %c0_i32 = arith.constant 0 : i32
    %c0_i32_0 = arith.constant 0 : i32
    return %arg0, %c0_i32 : i32, i32
  }
  func.func @transform_1(%arg0: i32) -> i32 {
    %c0_i32 = arith.constant 0 : i32
    %c0_i32_0 = arith.constant 0 : i32
    return %c0_i32 : i32
  }
  func.func @transform_2(%arg0: i32) -> i32 {
    %c0_i32 = arith.constant 0 : i32
    %c0_i32_0 = arith.constant 0 : i32
    return %c0_i32 : i32
  }
  func.func @transform_3(%arg0: i32) -> i32 {
    %c0_i32 = arith.constant 0 : i32
    %c0_i32_0 = arith.constant 0 : i32
    return %c0_i32 : i32
  }
  func.func @transform_4(%arg0: i32) -> i32 {
    %c0_i32 = arith.constant 0 : i32
    %c0_i32_0 = arith.constant 0 : i32
    return %c0_i32 : i32
  }
  func.func @transform_5(%arg0: i32) -> (i32, i32) {
    %c0_i32 = arith.constant 0 : i32
    %c0_i32_0 = arith.constant 0 : i32
    %c0_i32_1 = arith.constant 0 : i32
    return %c0_i32, %c0_i32_0 : i32, i32
  }
  func.func @transform_6(%arg0: i32) -> i32 {
    %c0_i32 = arith.constant 0 : i32
    %c0_i32_0 = arith.constant 0 : i32
    return %c0_i32 : i32
  }
  func.func @transform_7(%arg0: i32) -> (i32, i32) {
    %c0_i32 = arith.constant 0 : i32
    %c0_i32_0 = arith.constant 0 : i32
    return %arg0, %c0_i32 : i32, i32
  }
  func.func @transform_8(%arg0: i32) -> i32 {
    %c0_i32 = arith.constant 0 : i32
    %c0_i32_0 = arith.constant 0 : i32
    return %c0_i32 : i32
  }
  func.func @transform_9(%arg0: i32) -> i32 {
    %c0_i32 = arith.constant 0 : i32
    %c0_i32_0 = arith.constant 0 : i32
    return %c0_i32 : i32
  }
}

module attributes {stable_mosaic.version = 14 : i64} {
  func.func @_mm3_body(%arg0: i32, %arg1: memref<1024x512xf32, #tpu.memory_space<vmem>>, %arg2: memref<512xf32, #tpu.memory_space<vmem>>, %arg3: memref<512xf32, #tpu.memory_space<vmem>>, %arg4: memref<512xf32, #tpu.memory_space<vmem>>, %arg5: memref<512xf32, #tpu.memory_space<vmem>>, %arg6: memref<512x128xf32, #tpu.memory_space<vmem>>, %arg7: memref<2x1024x16xf32, #tpu.memory_space<vmem>>, %arg8: memref<1024x128xf32, #tpu.memory_space<vmem>>) attributes {dimension_semantics = [#tpu.dimension_semantics<arbitrary>], iteration_bounds = array<i64: 10>, scalar_prefetch = 0 : i64, scratch_operands = 0 : i64, tpu.core_type = #tpu.core_type<tc>, window_params = [{transform_indices = @transform_0, window_bounds = array<i64: 1024, 512>}, {pipeline_mode = #tpu.pipeline_mode<synchronous>, transform_indices = @transform_1, window_bounds = array<i64: 512>}, {pipeline_mode = #tpu.pipeline_mode<synchronous>, transform_indices = @transform_2, window_bounds = array<i64: 512>}, {pipeline_mode = #tpu.pipeline_mode<synchronous>, transform_indices = @transform_3, window_bounds = array<i64: 512>}, {pipeline_mode = #tpu.pipeline_mode<synchronous>, transform_indices = @transform_4, window_bounds = array<i64: 512>}, {pipeline_mode = #tpu.pipeline_mode<synchronous>, transform_indices = @transform_5, window_bounds = array<i64: 512, 128>}, {transform_indices = @transform_6, window_bounds = array<i64: 2, 1024, 16>}, {transform_indices = @transform_7, window_bounds = array<i64: 1024, 128>}]} {
    %get3A = arith.constant 0 : index
    %get3A_0 = vector.load %arg2[%get3A] : memref<512xf32, #tpu.memory_space<vmem>>, vector<512xf32>
    %div3A = arith.constant 1.000000e+04 : f32
    %div3A_1 = vector.broadcast %div3A : f32 to vector<512xf32>
    %div3A_2 = arith.divf %get3A_0, %div3A_1 : vector<512xf32>
    %get3A_3 = arith.constant 0 : index
    %get3A_4 = vector.load %arg3[%get3A_3] : memref<512xf32, #tpu.memory_space<vmem>>, vector<512xf32>
    %div3A_5 = arith.constant 1.000000e+04 : f32
    %div3A_6 = vector.broadcast %div3A_5 : f32 to vector<512xf32>
    %div3A_7 = arith.divf %get3A_4, %div3A_6 : vector<512xf32>
    %mul3A = arith.mulf %div3A_2, %div3A_2 : vector<512xf32>
    %sub3A = arith.subf %div3A_7, %mul3A : vector<512xf32>
    %get3A_8 = arith.constant 0 : index
    %get3A_9 = vector.load %arg4[%get3A_8] : memref<512xf32, #tpu.memory_space<vmem>>, vector<512xf32>
    %add3A = arith.constant 9.99999974E-6 : f32
    %add3A_10 = vector.broadcast %add3A : f32 to vector<512xf32>
    %add3A_11 = arith.addf %sub3A, %add3A_10 : vector<512xf32>
    %rsqrt3A = math.rsqrt %add3A_11 : vector<512xf32>
    %mul3A_12 = arith.mulf %get3A_9, %rsqrt3A : vector<512xf32>
    %get3A_13 = arith.constant 0 : index
    %get3A_14 = vector.load %arg5[%get3A_13] : memref<512xf32, #tpu.memory_space<vmem>>, vector<512xf32>
    %mul3A_15 = arith.mulf %div3A_2, %mul3A_12 : vector<512xf32>
    %sub3A_16 = arith.subf %get3A_14, %mul3A_15 : vector<512xf32>
    %get3A_17 = arith.constant 0 : index
    %get3A_18 = arith.constant 0 : index
    %get3A_19 = vector.load %arg1[%get3A_17, %get3A_18] : memref<1024x512xf32, #tpu.memory_space<vmem>>, vector<1024x512xf32>
    %broadcast_in_dim3A = vector.shape_cast %mul3A_12 : vector<512xf32> to vector<1x512xf32>
    %mul3A_20 = vector.broadcast %broadcast_in_dim3A : vector<1x512xf32> to vector<1024x512xf32>
    %mul3A_21 = arith.mulf %get3A_19, %mul3A_20 : vector<1024x512xf32>
    %broadcast_in_dim3A_22 = vector.shape_cast %sub3A_16 : vector<512xf32> to vector<1x512xf32>
    %add3A_23 = vector.broadcast %broadcast_in_dim3A_22 : vector<1x512xf32> to vector<1024x512xf32>
    %add3A_24 = arith.addf %mul3A_21, %add3A_23 : vector<1024x512xf32>
    %ge3A = arith.constant 0.000000e+00 : f32
    %ge3A_25 = vector.broadcast %ge3A : f32 to vector<1024x512xf32>
    %ge3A_26 = arith.cmpf oge, %add3A_24, %ge3A_25 : vector<1024x512xf32>
    %mul3A_27 = arith.constant 2.000000e-01 : f32
    %mul3A_28 = vector.broadcast %mul3A_27 : f32 to vector<1024x512xf32>
    %mul3A_29 = arith.mulf %mul3A_28, %add3A_24 : vector<1024x512xf32>
    %select_n3A = arith.select %ge3A_26, %add3A_24, %mul3A_29 : vector<1024x512xi1>, vector<1024x512xf32>
    %get3A_30 = arith.constant 0 : index
    %get3A_31 = arith.constant 0 : index
    %get3A_32 = arith.constant 0 : index
    %get3A_33 = vector.load %arg7[%get3A_30, %get3A_31, %get3A_32] : memref<2x1024x16xf32, #tpu.memory_space<vmem>>, vector<2x1024x16xf32>
    %slice3A = vector.extract_strided_slice %get3A_33 {offsets = [0, 0, 0], sizes = [1, 1024, 16], strides = [1, 1, 1]} : vector<2x1024x16xf32> to vector<1x1024x16xf32>
    %squeeze3A = vector.shape_cast %slice3A : vector<1x1024x16xf32> to vector<1024x16xf32>
    %slice3A_34 = vector.extract_strided_slice %get3A_33 {offsets = [1, 0, 0], sizes = [1, 1024, 16], strides = [1, 1, 1]} : vector<2x1024x16xf32> to vector<1x1024x16xf32>
    %squeeze3A_35 = vector.shape_cast %slice3A_34 : vector<1x1024x16xf32> to vector<1024x16xf32>
    %add3A_36 = arith.addf %squeeze3A, %squeeze3A_35 : vector<1024x16xf32>
    %add3A_37 = arith.constant 1.000000e+00 : f32
    %add3A_38 = vector.broadcast %add3A_37 : f32 to vector<1024x16xf32>
    %add3A_39 = arith.addf %add3A_36, %add3A_38 : vector<1024x16xf32>
    %slice3A_40 = vector.extract_strided_slice %add3A_39 {offsets = [0, 0], sizes = [1024, 1], strides = [1, 1]} : vector<1024x16xf32> to vector<1024x1xf32>
    %rsqrt3A_41 = math.rsqrt %slice3A_40 : vector<1024x1xf32>
    %get3A_42 = arith.constant 0 : index
    %get3A_43 = arith.constant 0 : index
    %get3A_44 = vector.load %arg6[%get3A_42, %get3A_43] : memref<512x128xf32, #tpu.memory_space<vmem>>, vector<512x128xf32>
    %dot_general3A = arith.constant dense<0.000000e+00> : vector<1024x128xf32>
    %dot_general3A_45 = tpu.matmul %select_n3A, %get3A_44, %dot_general3A {dimension_numbers = #tpu.dot_dimension_numbers<[1], [0], [0], [1], [0, 0, 1, 1], [], []>, precision = #tpu.contract_precision<fp32>, transpose_lhs_hint = false} : vector<1024x512xf32>, vector<512x128xf32>, vector<1024x128xf32> -> vector<1024x128xf32>
    %mul3A_46 = vector.broadcast %rsqrt3A_41 : vector<1024x1xf32> to vector<1024x128xf32>
    %mul3A_47 = arith.mulf %dot_general3A_45, %mul3A_46 : vector<1024x128xf32>
    %swap3A = arith.constant 0 : index
    %swap3A_48 = arith.constant 0 : index
    %swap3A_49 = vector.load %arg8[%swap3A, %swap3A_48] : memref<1024x128xf32, #tpu.memory_space<vmem>>, vector<1024x128xf32>
    tpu.vector_store %arg8[%swap3A, %swap3A_48], %mul3A_47 {strides = array<i32>} : memref<1024x128xf32, #tpu.memory_space<vmem>>, vector<1024x128xf32>,
    return
  }
  func.func @transform_0(%arg0: i32) -> (i32, i32) {
    %c0_i32 = arith.constant 0 : i32
    %c0_i32_0 = arith.constant 0 : i32
    return %arg0, %c0_i32 : i32, i32
  }
  func.func @transform_1(%arg0: i32) -> i32 {
    %c0_i32 = arith.constant 0 : i32
    %c0_i32_0 = arith.constant 0 : i32
    return %c0_i32 : i32
  }
  func.func @transform_2(%arg0: i32) -> i32 {
    %c0_i32 = arith.constant 0 : i32
    %c0_i32_0 = arith.constant 0 : i32
    return %c0_i32 : i32
  }
  func.func @transform_3(%arg0: i32) -> i32 {
    %c0_i32 = arith.constant 0 : i32
    %c0_i32_0 = arith.constant 0 : i32
    return %c0_i32 : i32
  }
  func.func @transform_4(%arg0: i32) -> i32 {
    %c0_i32 = arith.constant 0 : i32
    %c0_i32_0 = arith.constant 0 : i32
    return %c0_i32 : i32
  }
  func.func @transform_5(%arg0: i32) -> (i32, i32) {
    %c0_i32 = arith.constant 0 : i32
    %c0_i32_0 = arith.constant 0 : i32
    %c0_i32_1 = arith.constant 0 : i32
    return %c0_i32, %c0_i32_0 : i32, i32
  }
  func.func @transform_6(%arg0: i32) -> (i32, i32, i32) {
    %c0_i32 = arith.constant 0 : i32
    %c0_i32_0 = arith.constant 0 : i32
    %c0_i32_1 = arith.constant 0 : i32
    return %c0_i32, %arg0, %c0_i32_0 : i32, i32, i32
  }
  func.func @transform_7(%arg0: i32) -> (i32, i32) {
    %c0_i32 = arith.constant 0 : i32
    %c0_i32_0 = arith.constant 0 : i32
    return %arg0, %c0_i32 : i32, i32
  }
}

module attributes {stable_mosaic.version = 14 : i64} {
  func.func @_relu_q2_body(%arg0: i32, %arg1: memref<2x1024x128xf32, #tpu.memory_space<vmem>>, %arg2: memref<1024x128xf32, #tpu.memory_space<vmem>>, %arg3: memref<2x1024x16xf32, #tpu.memory_space<vmem>>, %arg4: memref<128xf32, #tpu.memory_space<vmem>>, %arg5: memref<1024x128xf32, #tpu.memory_space<vmem>>) attributes {dimension_semantics = [#tpu.dimension_semantics<arbitrary>], iteration_bounds = array<i64: 10>, scalar_prefetch = 0 : i64, scratch_operands = 0 : i64, tpu.core_type = #tpu.core_type<tc>, window_params = [{transform_indices = @transform_0, window_bounds = array<i64: 2, 1024, 128>}, {transform_indices = @transform_1, window_bounds = array<i64: 1024, 128>}, {transform_indices = @transform_2, window_bounds = array<i64: 2, 1024, 16>}, {pipeline_mode = #tpu.pipeline_mode<synchronous>, transform_indices = @transform_3, window_bounds = array<i64: 128>}, {transform_indices = @transform_4, window_bounds = array<i64: 1024, 128>}]} {
    %get3A = arith.constant 0 : index
    %get3A_0 = arith.constant 0 : index
    %get3A_1 = arith.constant 0 : index
    %get3A_2 = vector.load %arg3[%get3A, %get3A_0, %get3A_1] : memref<2x1024x16xf32, #tpu.memory_space<vmem>>, vector<2x1024x16xf32>
    %slice3A = vector.extract_strided_slice %get3A_2 {offsets = [0, 0, 0], sizes = [1, 1024, 16], strides = [1, 1, 1]} : vector<2x1024x16xf32> to vector<1x1024x16xf32>
    %squeeze3A = vector.shape_cast %slice3A : vector<1x1024x16xf32> to vector<1024x16xf32>
    %slice3A_3 = vector.extract_strided_slice %get3A_2 {offsets = [1, 0, 0], sizes = [1, 1024, 16], strides = [1, 1, 1]} : vector<2x1024x16xf32> to vector<1x1024x16xf32>
    %squeeze3A_4 = vector.shape_cast %slice3A_3 : vector<1x1024x16xf32> to vector<1024x16xf32>
    %add3A = arith.addf %squeeze3A, %squeeze3A_4 : vector<1024x16xf32>
    %add3A_5 = arith.constant 1.000000e+00 : f32
    %add3A_6 = vector.broadcast %add3A_5 : f32 to vector<1024x16xf32>
    %add3A_7 = arith.addf %add3A, %add3A_6 : vector<1024x16xf32>
    %slice3A_8 = vector.extract_strided_slice %add3A_7 {offsets = [0, 0], sizes = [1024, 1], strides = [1, 1]} : vector<1024x16xf32> to vector<1024x1xf32>
    %rsqrt3A = math.rsqrt %slice3A_8 : vector<1024x1xf32>
    %get3A_9 = arith.constant 0 : index
    %get3A_10 = arith.constant 0 : index
    %get3A_11 = arith.constant 0 : index
    %get3A_12 = vector.load %arg1[%get3A_9, %get3A_10, %get3A_11] : memref<2x1024x128xf32, #tpu.memory_space<vmem>>, vector<1x1024x128xf32>
    %get3A_13 = vector.shape_cast %get3A_12 : vector<1x1024x128xf32> to vector<1024x128xf32>
    %get3A_14 = arith.constant 1 : index
    %get3A_15 = arith.constant 0 : index
    %get3A_16 = arith.constant 0 : index
    %get3A_17 = vector.load %arg1[%get3A_14, %get3A_15, %get3A_16] : memref<2x1024x128xf32, #tpu.memory_space<vmem>>, vector<1x1024x128xf32>
    %get3A_18 = vector.shape_cast %get3A_17 : vector<1x1024x128xf32> to vector<1024x128xf32>
    %add3A_19 = arith.addf %get3A_13, %get3A_18 : vector<1024x128xf32>
    %get3A_20 = arith.constant 0 : index
    %get3A_21 = arith.constant 0 : index
    %get3A_22 = vector.load %arg2[%get3A_20, %get3A_21] : memref<1024x128xf32, #tpu.memory_space<vmem>>, vector<1024x128xf32>
    %add3A_23 = arith.addf %add3A_19, %get3A_22 : vector<1024x128xf32>
    %mul3A = vector.broadcast %rsqrt3A : vector<1024x1xf32> to vector<1024x128xf32>
    %mul3A_24 = arith.mulf %add3A_23, %mul3A : vector<1024x128xf32>
    %get3A_25 = arith.constant 0 : index
    %get3A_26 = vector.load %arg4[%get3A_25] : memref<128xf32, #tpu.memory_space<vmem>>, vector<128xf32>
    %broadcast_in_dim3A = vector.shape_cast %get3A_26 : vector<128xf32> to vector<1x128xf32>
    %add3A_27 = vector.broadcast %broadcast_in_dim3A : vector<1x128xf32> to vector<1024x128xf32>
    %add3A_28 = arith.addf %mul3A_24, %add3A_27 : vector<1024x128xf32>
    %max3A = arith.constant 0.000000e+00 : f32
    %max3A_29 = vector.broadcast %max3A : f32 to vector<1024x128xf32>
    %max3A_30 = arith.maximumf %add3A_28, %max3A_29 : vector<1024x128xf32>
    %mul3A_31 = vector.broadcast %rsqrt3A : vector<1024x1xf32> to vector<1024x128xf32>
    %mul3A_32 = arith.mulf %max3A_30, %mul3A_31 : vector<1024x128xf32>
    %swap3A = arith.constant 0 : index
    %swap3A_33 = arith.constant 0 : index
    %swap3A_34 = vector.load %arg5[%swap3A, %swap3A_33] : memref<1024x128xf32, #tpu.memory_space<vmem>>, vector<1024x128xf32>
    tpu.vector_store %arg5[%swap3A, %swap3A_33], %mul3A_32 {strides = array<i32>} : memref<1024x128xf32, #tpu.memory_space<vmem>>, vector<1024x128xf32>,
    return
  }
  func.func @transform_0(%arg0: i32) -> (i32, i32, i32) {
    %c0_i32 = arith.constant 0 : i32
    %c0_i32_0 = arith.constant 0 : i32
    %c0_i32_1 = arith.constant 0 : i32
    return %c0_i32, %arg0, %c0_i32_0 : i32, i32, i32
  }
  func.func @transform_1(%arg0: i32) -> (i32, i32) {
    %c0_i32 = arith.constant 0 : i32
    %c0_i32_0 = arith.constant 0 : i32
    return %arg0, %c0_i32 : i32, i32
  }
  func.func @transform_2(%arg0: i32) -> (i32, i32, i32) {
    %c0_i32 = arith.constant 0 : i32
    %c0_i32_0 = arith.constant 0 : i32
    %c0_i32_1 = arith.constant 0 : i32
    return %c0_i32, %arg0, %c0_i32_0 : i32, i32, i32
  }
  func.func @transform_3(%arg0: i32) -> i32 {
    %c0_i32 = arith.constant 0 : i32
    %c0_i32_0 = arith.constant 0 : i32
    return %c0_i32 : i32
  }
  func.func @transform_4(%arg0: i32) -> (i32, i32) {
    %c0_i32 = arith.constant 0 : i32
    %c0_i32_0 = arith.constant 0 : i32
    return %arg0, %c0_i32 : i32, i32
  }
}

module attributes {stable_mosaic.version = 14 : i64} {
  func.func @_final_body(%arg0: i32, %arg1: memref<2x1024x128xf32, #tpu.memory_space<vmem>>, %arg2: memref<1024x128xf32, #tpu.memory_space<vmem>>, %arg3: memref<2x1024x16xf32, #tpu.memory_space<vmem>>, %arg4: memref<128x64xf32, #tpu.memory_space<vmem>>, %arg5: memref<64xf32, #tpu.memory_space<vmem>>, %arg6: memref<128x64xf32, #tpu.memory_space<vmem>>, %arg7: memref<64xf32, #tpu.memory_space<vmem>>, %arg8: memref<1024x64xf32, #tpu.memory_space<vmem>>, %arg9: memref<1024x64xf32, #tpu.memory_space<vmem>>, %arg10: memref<1024x64xf32, #tpu.memory_space<vmem>>, %arg11: memref<1024x64xf32, #tpu.memory_space<vmem>>) attributes {dimension_semantics = [#tpu.dimension_semantics<arbitrary>], iteration_bounds = array<i64: 10>, scalar_prefetch = 0 : i64, scratch_operands = 0 : i64, tpu.core_type = #tpu.core_type<tc>, window_params = [{transform_indices = @transform_0, window_bounds = array<i64: 2, 1024, 128>}, {transform_indices = @transform_1, window_bounds = array<i64: 1024, 128>}, {transform_indices = @transform_2, window_bounds = array<i64: 2, 1024, 16>}, {pipeline_mode = #tpu.pipeline_mode<synchronous>, transform_indices = @transform_3, window_bounds = array<i64: 128, 64>}, {pipeline_mode = #tpu.pipeline_mode<synchronous>, transform_indices = @transform_4, window_bounds = array<i64: 64>}, {pipeline_mode = #tpu.pipeline_mode<synchronous>, transform_indices = @transform_5, window_bounds = array<i64: 128, 64>}, {pipeline_mode = #tpu.pipeline_mode<synchronous>, transform_indices = @transform_6, window_bounds = array<i64: 64>}, {transform_indices = @transform_7, window_bounds = array<i64: 1024, 64>}, {transform_indices = @transform_8, window_bounds = array<i64: 1024, 64>}, {transform_indices = @transform_9, window_bounds = array<i64: 1024, 64>}, {transform_indices = @transform_10, window_bounds = array<i64: 1024, 64>}]} {
    %get3A = arith.constant 0 : index
    %get3A_0 = arith.constant 0 : index
    %get3A_1 = arith.constant 0 : index
    %get3A_2 = vector.load %arg3[%get3A, %get3A_0, %get3A_1] : memref<2x1024x16xf32, #tpu.memory_space<vmem>>, vector<2x1024x16xf32>
    %slice3A = vector.extract_strided_slice %get3A_2 {offsets = [0, 0, 0], sizes = [1, 1024, 16], strides = [1, 1, 1]} : vector<2x1024x16xf32> to vector<1x1024x16xf32>
    %squeeze3A = vector.shape_cast %slice3A : vector<1x1024x16xf32> to vector<1024x16xf32>
    %slice3A_3 = vector.extract_strided_slice %get3A_2 {offsets = [1, 0, 0], sizes = [1, 1024, 16], strides = [1, 1, 1]} : vector<2x1024x16xf32> to vector<1x1024x16xf32>
    %squeeze3A_4 = vector.shape_cast %slice3A_3 : vector<1x1024x16xf32> to vector<1024x16xf32>
    %add3A = arith.addf %squeeze3A, %squeeze3A_4 : vector<1024x16xf32>
    %add3A_5 = arith.constant 1.000000e+00 : f32
    %add3A_6 = vector.broadcast %add3A_5 : f32 to vector<1024x16xf32>
    %add3A_7 = arith.addf %add3A, %add3A_6 : vector<1024x16xf32>
    %slice3A_8 = vector.extract_strided_slice %add3A_7 {offsets = [0, 0], sizes = [1024, 1], strides = [1, 1]} : vector<1024x16xf32> to vector<1024x1xf32>
    %rsqrt3A = math.rsqrt %slice3A_8 : vector<1024x1xf32>
    %get3A_9 = arith.constant 0 : index
    %get3A_10 = arith.constant 0 : index
    %get3A_11 = arith.constant 0 : index
    %get3A_12 = vector.load %arg1[%get3A_9, %get3A_10, %get3A_11] : memref<2x1024x128xf32, #tpu.memory_space<vmem>>, vector<1x1024x128xf32>
    %get3A_13 = vector.shape_cast %get3A_12 : vector<1x1024x128xf32> to vector<1024x128xf32>
    %get3A_14 = arith.constant 1 : index
    %get3A_15 = arith.constant 0 : index
    %get3A_16 = arith.constant 0 : index
    %get3A_17 = vector.load %arg1[%get3A_14, %get3A_15, %get3A_16] : memref<2x1024x128xf32, #tpu.memory_space<vmem>>, vector<1x1024x128xf32>
    %get3A_18 = vector.shape_cast %get3A_17 : vector<1x1024x128xf32> to vector<1024x128xf32>
    %add3A_19 = arith.addf %get3A_13, %get3A_18 : vector<1024x128xf32>
    %get3A_20 = arith.constant 0 : index
    %get3A_21 = arith.constant 0 : index
    %get3A_22 = vector.load %arg2[%get3A_20, %get3A_21] : memref<1024x128xf32, #tpu.memory_space<vmem>>, vector<1024x128xf32>
    %add3A_23 = arith.addf %add3A_19, %get3A_22 : vector<1024x128xf32>
    %mul3A = vector.broadcast %rsqrt3A : vector<1024x1xf32> to vector<1024x128xf32>
    %mul3A_24 = arith.mulf %add3A_23, %mul3A : vector<1024x128xf32>
    %get3A_25 = arith.constant 0 : index
    %get3A_26 = arith.constant 0 : index
    %get3A_27 = vector.load %arg4[%get3A_25, %get3A_26] : memref<128x64xf32, #tpu.memory_space<vmem>>, vector<128x64xf32>
    %dot_general3A = arith.constant dense<0.000000e+00> : vector<1024x64xf32>
    %dot_general3A_28 = tpu.matmul %mul3A_24, %get3A_27, %dot_general3A {dimension_numbers = #tpu.dot_dimension_numbers<[1], [0], [0], [1], [0, 0, 1, 1], [], []>, precision = #tpu.contract_precision<fp32>, transpose_lhs_hint = false} : vector<1024x128xf32>, vector<128x64xf32>, vector<1024x64xf32> -> vector<1024x64xf32>
    %get3A_29 = arith.constant 0 : index
    %get3A_30 = vector.load %arg5[%get3A_29] : memref<64xf32, #tpu.memory_space<vmem>>, vector<64xf32>
    %broadcast_in_dim3A = vector.shape_cast %get3A_30 : vector<64xf32> to vector<1x64xf32>
    %add3A_31 = vector.broadcast %broadcast_in_dim3A : vector<1x64xf32> to vector<1024x64xf32>
    %add3A_32 = arith.addf %dot_general3A_28, %add3A_31 : vector<1024x64xf32>
    %get3A_33 = arith.constant 0 : index
    %get3A_34 = arith.constant 0 : index
    %get3A_35 = vector.load %arg6[%get3A_33, %get3A_34] : memref<128x64xf32, #tpu.memory_space<vmem>>, vector<128x64xf32>
    %dot_general3A_36 = arith.constant dense<0.000000e+00> : vector<1024x64xf32>
    %dot_general3A_37 = tpu.matmul %mul3A_24, %get3A_35, %dot_general3A_36 {dimension_numbers = #tpu.dot_dimension_numbers<[1], [0], [0], [1], [0, 0, 1, 1], [], []>, precision = #tpu.contract_precision<fp32>, transpose_lhs_hint = false} : vector<1024x128xf32>, vector<128x64xf32>, vector<1024x64xf32> -> vector<1024x64xf32>
    %get3A_38 = arith.constant 0 : index
    %get3A_39 = vector.load %arg7[%get3A_38] : memref<64xf32, #tpu.memory_space<vmem>>, vector<64xf32>
    %broadcast_in_dim3A_40 = vector.shape_cast %get3A_39 : vector<64xf32> to vector<1x64xf32>
    %add3A_41 = vector.broadcast %broadcast_in_dim3A_40 : vector<1x64xf32> to vector<1024x64xf32>
    %add3A_42 = arith.addf %dot_general3A_37, %add3A_41 : vector<1024x64xf32>
    %swap3A = arith.constant 0 : index
    %swap3A_43 = arith.constant 0 : index
    %swap3A_44 = vector.load %arg9[%swap3A, %swap3A_43] : memref<1024x64xf32, #tpu.memory_space<vmem>>, vector<1024x64xf32>
    tpu.vector_store %arg9[%swap3A, %swap3A_43], %add3A_32 {strides = array<i32>} : memref<1024x64xf32, #tpu.memory_space<vmem>>, vector<1024x64xf32>,
    %swap3A_45 = arith.constant 0 : index
    %swap3A_46 = arith.constant 0 : index
    %swap3A_47 = vector.load %arg10[%swap3A_45, %swap3A_46] : memref<1024x64xf32, #tpu.memory_space<vmem>>, vector<1024x64xf32>
    tpu.vector_store %arg10[%swap3A_45, %swap3A_46], %add3A_42 {strides = array<i32>} : memref<1024x64xf32, #tpu.memory_space<vmem>>, vector<1024x64xf32>,
    %get3A_48 = arith.constant 0 : index
    %get3A_49 = arith.constant 0 : index
    %get3A_50 = vector.load %arg8[%get3A_48, %get3A_49] : memref<1024x64xf32, #tpu.memory_space<vmem>>, vector<1024x64xf32>
    %exp3A = math.exp %add3A_42 : vector<1024x64xf32>
    %mul3A_51 = arith.mulf %get3A_50, %exp3A : vector<1024x64xf32>
    %add3A_52 = arith.addf %mul3A_51, %add3A_32 : vector<1024x64xf32>
    %swap3A_53 = arith.constant 0 : index
    %swap3A_54 = arith.constant 0 : index
    %swap3A_55 = vector.load %arg11[%swap3A_53, %swap3A_54] : memref<1024x64xf32, #tpu.memory_space<vmem>>, vector<1024x64xf32>
    tpu.vector_store %arg11[%swap3A_53, %swap3A_54], %add3A_52 {strides = array<i32>} : memref<1024x64xf32, #tpu.memory_space<vmem>>, vector<1024x64xf32>,
    return
  }
  func.func @transform_0(%arg0: i32) -> (i32, i32, i32) {
    %c0_i32 = arith.constant 0 : i32
    %c0_i32_0 = arith.constant 0 : i32
    %c0_i32_1 = arith.constant 0 : i32
    return %c0_i32, %arg0, %c0_i32_0 : i32, i32, i32
  }
  func.func @transform_1(%arg0: i32) -> (i32, i32) {
    %c0_i32 = arith.constant 0 : i32
    %c0_i32_0 = arith.constant 0 : i32
    return %arg0, %c0_i32 : i32, i32
  }
  func.func @transform_2(%arg0: i32) -> (i32, i32, i32) {
    %c0_i32 = arith.constant 0 : i32
    %c0_i32_0 = arith.constant 0 : i32
    %c0_i32_1 = arith.constant 0 : i32
    return %c0_i32, %arg0, %c0_i32_0 : i32, i32, i32
  }
  func.func @transform_3(%arg0: i32) -> (i32, i32) {
    %c0_i32 = arith.constant 0 : i32
    %c0_i32_0 = arith.constant 0 : i32
    %c0_i32_1 = arith.constant 0 : i32
    return %c0_i32, %c0_i32_0 : i32, i32
  }
  func.func @transform_4(%arg0: i32) -> i32 {
    %c0_i32 = arith.constant 0 : i32
    %c0_i32_0 = arith.constant 0 : i32
    return %c0_i32 : i32
  }
  func.func @transform_5(%arg0: i32) -> (i32, i32) {
    %c0_i32 = arith.constant 0 : i32
    %c0_i32_0 = arith.constant 0 : i32
    %c0_i32_1 = arith.constant 0 : i32
    return %c0_i32, %c0_i32_0 : i32, i32
  }
  func.func @transform_6(%arg0: i32) -> i32 {
    %c0_i32 = arith.constant 0 : i32
    %c0_i32_0 = arith.constant 0 : i32
    return %c0_i32 : i32
  }
  func.func @transform_7(%arg0: i32) -> (i32, i32) {
    %c0_i32 = arith.constant 0 : i32
    %c0_i32_0 = arith.constant 0 : i32
    return %arg0, %c0_i32 : i32, i32
  }
  func.func @transform_8(%arg0: i32) -> (i32, i32) {
    %c0_i32 = arith.constant 0 : i32
    %c0_i32_0 = arith.constant 0 : i32
    return %arg0, %c0_i32 : i32, i32
  }
  func.func @transform_9(%arg0: i32) -> (i32, i32) {
    %c0_i32 = arith.constant 0 : i32
    %c0_i32_0 = arith.constant 0 : i32
    return %arg0, %c0_i32 : i32, i32
  }
  func.func @transform_10(%arg0: i32) -> (i32, i32) {
    %c0_i32 = arith.constant 0 : i32
    %c0_i32_0 = arith.constant 0 : i32
    return %arg0, %c0_i32 : i32, i32
  }
}

</mosaic_0001>

<sc_bundles>
// kernel: kernel.10.cloned.1.call-start
scs
__scs_entry_jumppad:
0x0: {  	(pc) =	sbr.rel $0x88, $3  }
0x1: {  	(tag) =	ssettag $0x0;
	lr =	simm.s32 $0x1  }
0x2: {  	[smem:$0x3F90] =	sst lr;
	_ =	strace $0xD0000000  }
0x3: {  	_ = 	snop  }
0x4: {  	_ = 	snop  }
0x5: {  	_ = 	snop  }
0x6: {  	_ = 	snop  }
0x7: {  	_ = 	snop  }
__scs_overlays_trampoline_lowered:
0x8: {  	[smem:$0x3F9F] =	sst s0  }
0x9: {  	[smem:$0x3FA0] =	sst s1  }
0xa: {  	[smem:$0x3FA1] =	sst s2  }
0xb: {  	[smem:$0x3FA2] =	sst s3  }
0xc: {  	[smem:$0x3FA3] =	sst s4  }
0xd: {  	[smem:$0x3FA4] =	sst s5  }
0xe: {  	[smem:$0x3FA5] =	sst s6  }
0xf: {  	[smem:$0x3FA6] =	sst s7  }
0x10: {  	[smem:$0x3FA7] =	sst s8  }
0x11: {  	[smem:$0x3FA8] =	sst s9;
	s0 =	simm.s32 @!p0 $0x0  }
0x12: {  	s1 =	sld [smem:$0x3F8E];
	s0 =	simm.s32 @p0 $0x1  }
0x13: {  	[smem:$0x3FA9] =	sst s0;
	s0 =	simm.s32 @!p1 $0x0  }
0x14: {  	s2 =	sld [smem:$0x3F8D];
	s0 =	simm.s32 @p1 $0x1  }
0x15: {  	[smem:$0x3FAA] =	sst s0;
	s0 =	simm.s32 @!p2 $0x0  }
0x16: {  	s3 =	sld [smem:$0x3FDB];
	s0 =	simm.s32 @p2 $0x1  }
0x17: {  	s4 =	simm.s32 $0x1BF5;
	[smem:$0x3FAC] =	sst s0  }
0x18: {  	s0 =	sld [smem:$0x3F8F];
	_ =	swait.ge [sflag:s4], $0x0  }
0x19: {  	s7 =	sld [smem:$0x3F90]  }
0x1a: {  	s8 =	sadd.s32 $0xFFFFE003, lr  }
0x1b: {  	s9 =	sadd.s32 $0xFFFFFEF7, lr;
	s5 =	simm.s32 $0xFFFFFFFF;
	p2 =	slt.u32 s8, $0xFFFFF086  }
0x1c: {  	p1 =	slt.u32 s9, $0xF7A;
	s5 =	simm.s32 @!p2 $0x0  }
0x1d: {  	s5 =	simm.s32 @p1 $0x1;
	p0 =	seq.s32 s7, s2  }
0x1e: {  	s7 =	smul.u32 @!p0 $0xF7A, s2;
	p2 =	seq.s32 @!p0 s5, $0x0  }
0x1f: {  	s9 =	smul.u32 $0xF7A, s1;
	s8 =	simm.s32 @!p0 $0x1BF5;
	p2 =	por !p2, p0  }
0x20: {  	[sflag:s8] =	ssyncset.s32 @!p0 $0xFFFFF086;
	s6 =	sadd.s32 @!p0 s3, s7;
	s7 =	simm.s32 @!p0 $0x108  }
0x21: {  	s3 =	sadd.s32 s3, s9;
	s6 =	sadd.s32 @!p0 $0x88, s6;
	s7 =	simm.s32 @p2 $0x1082  }
0x22: {  	[simem:s7], [sflag:s8] =	dma.local @!p0 [hbm:s6], $0xF7A  }
0x23: {  	s9 =	sor.u32 $0xD0000000, s2;
	s6 =	simm.s32 $0x108;
	_ =	swait.ge @!p0 [sflag:s8], $0x0  }
0x24: {  	s3 =	sadd.s32 $0x88, s3;
	s6 =	simm.s32 @!p1 $0x1082;
	[sflag:s4] =	ssyncset.s32 $0xFFFFF086  }
0x25: {  	[simem:s6], [sflag:s4] =	dma.local [hbm:s3], $0xF7A  }
0x26: {  	[smem:$0x3F90] =	sst s1;
	(tag) =	ssettag s2;
	_ =	strace s9  }
0x27: {  	s1 =	sld [smem:$0x3FA0]  }
0x28: {  	s2 =	sld [smem:$0x3FA1]  }
0x29: {  	s4 =	sld [smem:$0x3FA3]  }
0x2a: {  	p0 =	seq.s32 s5, $0x0;
	s5 =	sld [smem:$0x3FA4]  }
0x2b: {  	s6 =	sld [smem:$0x3FA5]  }
0x2c: {  	s7 =	sld [smem:$0x3FA6]  }
0x2d: {  	s3 =	simm.s32 $0x108;
	s8 =	sld [smem:$0x3FA7]  }
0x2e: {  	s3 =	simm.s32 @!p0 $0x1082;
	s9 =	sld [smem:$0x3FA8]  }
0x2f: {  	lr =	sadd.s32 s0, s3;
	s0 =	sld [smem:$0x3F9F]  }
0x30: {  	s3 =	sld [smem:$0x3FA2]  }
0x31: {  	[smem:$0x3FAB] =	sst s10  }
0x32: {  	s10 =	sld [smem:$0x3FA9];
	_ =	sdelay $0x3  }
0x33: {  	p0 =	seq.s32 s10, $0x1;
	s10 =	sld [smem:$0x3FAB];
	_ =	sdelay $0x3  }
0x34: {  	[smem:$0x3FAB] =	sst s10  }
0x35: {  	s10 =	sld [smem:$0x3FAA];
	_ =	sdelay $0x3  }
0x36: {  	p1 =	seq.s32 s10, $0x1;
	s10 =	sld [smem:$0x3FAB];
	_ =	sdelay $0x3  }
0x37: {  	[smem:$0x3FAB] =	sst s10  }
0x38: {  	s10 =	sld [smem:$0x3FAC]  }
0x39: {  	_ = 	snop;
	(pc) =	sbr.ind lr, $3  }
0x3a: {  	_ = 	snop  }
0x3b: {  	_ = 	snop  }
0x3c: {  	p2 =	seq.s32 s10, $0x1;
	s10 =	sld [smem:$0x3FAB]  }
0x3d: {  	_ =	shalt  }
0x3e: {  	_ =	shalt  }
0x3f: {  	_ =	shalt  }
0x40: {  	_ =	shalt  }
0x41: {  	_ =	shalt  }
0x42: {  	_ =	shalt  }
0x43: {  	_ =	shalt  }
0x44: {  	_ =	shalt  }
0x45: {  	_ =	shalt  }
0x46: {  	_ =	shalt  }
0x47: {  	_ =	shalt  }
0x48: {  	_ =	shalt  }
0x49: {  	_ =	shalt  }
0x4a: {  	_ =	shalt  }
0x4b: {  	_ =	shalt  }
0x4c: {  	_ =	shalt  }
0x4d: {  	_ =	shalt  }
0x4e: {  	_ =	shalt  }
0x4f: {  	_ =	shalt  }
0x50: {  	_ =	shalt  }
0x51: {  	_ =	shalt  }
0x52: {  	_ =	shalt  }
0x53: {  	_ =	shalt  }
0x54: {  	_ =	shalt  }
0x55: {  	_ =	shalt  }
0x56: {  	_ =	shalt  }
0x57: {  	_ =	shalt  }
0x58: {  	_ =	shalt  }
0x59: {  	_ =	shalt  }
0x5a: {  	_ =	shalt  }
0x5b: {  	_ =	shalt  }
0x5c: {  	_ =	shalt  }
0x5d: {  	_ =	shalt  }
0x5e: {  	_ =	shalt  }
0x5f: {  	_ =	shalt  }
0x60: {  	_ =	shalt  }
0x61: {  	_ =	shalt  }
0x62: {  	_ =	shalt  }
0x63: {  	_ =	shalt  }
0x64: {  	_ =	shalt  }
0x65: {  	_ =	shalt  }
0x66: {  	_ =	shalt  }
0x67: {  	_ =	shalt  }
0x68: {  	_ =	shalt  }
0x69: {  	_ =	shalt  }
0x6a: {  	_ =	shalt  }
0x6b: {  	_ =	shalt  }
0x6c: {  	_ =	shalt  }
0x6d: {  	_ =	shalt  }
0x6e: {  	_ =	shalt  }
0x6f: {  	_ =	shalt  }
0x70: {  	_ =	shalt  }
0x71: {  	_ =	shalt  }
0x72: {  	_ =	shalt  }
0x73: {  	_ =	shalt  }
0x74: {  	_ =	shalt  }
0x75: {  	_ =	shalt  }
0x76: {  	_ =	shalt  }
0x77: {  	_ =	shalt  }
0x78: {  	_ =	shalt  }
0x79: {  	_ =	shalt  }
0x7a: {  	_ =	shalt  }
0x7b: {  	_ =	shalt  }
0x7c: {  	_ =	shalt  }
0x7d: {  	_ =	shalt  }
0x7e: {  	_ =	shalt  }
0x7f: {  	_ =	shalt  }
0x80: {  	_ =	shalt  }
0x81: {  	_ =	shalt  }
0x82: {  	_ =	shalt  }
0x83: {  	_ =	shalt  }
0x84: {  	_ =	shalt  }
0x85: {  	_ =	shalt  }
0x86: {  	_ =	shalt  }
0x87: {  	_ =	shalt  }
.Lfunc_end0:
.L_simem_size_0:
called_computation_lowered:
.L_overlay_start_0:
0x88: {  	s2 =	sld [smem:$0x3FD9]  }
0x89: {  	s3 =	sld [smem:$0x3FFE];
	_ =	sdelay $0x1  }
0x8a: {  	s1 =	srdreg.scid  }
0x8b: {  	s0 =	sand.u32 $0x1, s1  }
0x8c: {  	s14 =	sshll.u32 s0, $0xA;
	s2 =	sadd.s32 s3, s2  }
0x8d: {  	s2 =	sadd.s32 s2, s14  }
0x8e: {  	[smem:$0x3FB7] =	sst s2  }
0x8f: {  	_ = 	snop  }
0x90: {  	s2 =	sld [smem:$0x3FD0];
	_ =	sdelay $0x2  }
0x91: {  	s15 =	simm.s32 $0xA;
	s4 =	simm.s32 $0x10  }
0x92: {  	[smem:s4], [sflag:s15] =	dma.local [hbm:s2], $0x1  }
0x93: {  	_ =	swait.eq [sflag:s15], $0x1  }
0x94: {  	[sflag:s15] =	ssyncset.done $0x0  }
0x95: {  	s16 =	sld [smem:$0x10];
	[sflag:s15] =	ssyncadd.s32 $0xFFFFFFFF  }
0x96: {  	s17 =	sld [smem:$0x11];
	(tm) =	ssettm $0x1  }
0x97: {  	s18 =	sld [smem:$0x3FFB];
	_ =	sdelay $0x3  }
0x98: {  	_ =	strace s18  }
0x99: {  	s4 =	sld [smem:$0x3FFC];
	_ =	sdelay $0x3  }
0x9a: {  	_ =	strace s4  }
0x9b: {  	s4 =	sld [smem:$0x3FFD];
	_ =	sdelay $0x3  }
0x9c: {  	_ =	strace s4  }
0x9d: {  	_ =	strace $0x8FFFFFFF  }
0x9e: {  	s19 =	sld [smem:$0x3FDB];
	_ =	sdelay $0x1  }
0x9f: {  	s5 =	simm.s32 $_scs_section_size  }
0xa0: {  	s6 =	simm.s32 $_size__tile_overlayer_lowered;
	s7 =	simm.s32 $_tile_overlayer_lowered  }
0xa1: {  	s22 =	simm.s32 $0x1BFF;
	s21 =	sshll.u32 s7, $0x1;
	s4 =	sadd.s32 s5, s19  }
0xa2: {  	s8 =	simm.s32 $0x0;
	s20 =	sshll.u32 s6, $0x1;
	s6 =	sadd.s32 s21, s4  }
0xa3: {  	[timem:s8], [sflag:s22] =	dma.local [hbm:s6], s20  }
0xa4: {  	_ =	swait.ge [sflag:s22], s20  }
0xa5: {  	s5 =	ssub.s32 $0x0, s20;
	[sflag:s22] =	ssyncset.done $0x0  }
0xa6: {  	[sflag:s22] =	ssyncadd.s32 s5;
	_ =	sdelay $0x1  }
0xa7: {  	s23 =	simm.s32 $0x1B8B  }
0xa8: {  	_ =	swait.ge [sflag:s23], $0x1  }
0xa9: {  	[sflag:s23] =	ssyncset.done $0x0  }
0xaa: {  	s25 =	simm.s32 $0x1B8E;
	s24 =	sld [smem:$0x3FFE];
	[sflag:s23] =	ssyncadd.s32 $0xFFFFFFFF  }
0xab: {  	s26 =	simm.s32 $execute0_lowered;
	[smem:$0x3FD2] =	sst s25  }
0xac: {  	s6 =	sshll.u32 s26, $0x1;
	_ =	strace $0x80000046;
	[dreg:$0x1] =	wrdreg $0xFFFFFFFF  }
0xad: {  	s28 =	simm.s32 $_size_execute0_lowered;
	s4 =	sadd.s32 s4, s6;
	[dreg:$0x0] =	wrdreg $0x0  }
0xae: {  	s6 =	sshll.u32 s28, $0x1;
	[dreg:$0x2] =	wrdreg s4  }
0xaf: {  	[dreg:$0x3] =	wrdreg s6  }
0xb0: {  	[dreg:$0x4] =	wrdreg $0xC0  }
0xb1: {  	_ =	task [dreg:s8], $0x5FFFF  }
0xb2: {  	[dreg:$0x1] =	wrdreg $0xFFFFFFFF  }
0xb3: {  	[dreg:$0x0] =	wrdreg $0x60  }
0xb4: {  	[dreg:$0x2] =	wrdreg s17  }
0xb5: {  	[dreg:$0x3] =	wrdreg s16  }
0xb6: {  	[dreg:$0x4] =	wrdreg s24  }
0xb7: {  	[dreg:$0x5] =	wrdreg $0x54000  }
0xb8: {  	[dreg:$0x6] =	wrdreg $0x9  }
0xb9: {  	_ =	task.clear_ibuf [dreg:s8], $0x7FFFF;
	_ =	strace $0x90000046  }
0xba: {  	s29 =	simm.s32 $0x9;
	_ =	strace $0x80000048  }
0xbb: {  	_ =	swait.ge [sflag:s29], $0x1  }
0xbc: {  	[sflag:s29] =	ssyncadd.s32 $0xFFFFFFFF  }
0xbd: {  	_ =	strace $0x90000048  }
0xbe: {  	_ =	sfence  }
0xbf: {  	s30 =	sld [smem:$0x0];
	_ =	sdelay $0x2  }
0xc0: {  	s31 =	sshll.u32 s1, $0xD;
	s1 =	sshrl.u32 s1, $0x2  }
0xc1: {  	s3 =	sand.u32 $0x4000, s31;
	s1 =	sadd.s32 s1, s30  }
0xc2: {  	s0 =	sor.u32 s3, s0;
	s1 =	sshll.u32 s1, $0x11  }
0xc3: {  	s0 =	sor.u32 s1, s0  }
0xc4: {  	s0 =	sadd.s32 $0x8F2B, s0  }
0xc5: {  	[sflag:s0] =	ssyncadd.remote.s32 $0x1  }
0xc6: {  	_ =	sfence.sel $0xFFFF  }
0xc7: {  	[dreg:$0x0] =	wrdreg $0xFFFFFFFF;
	(pc) =	sbr.abs _section_cstart, $3  }
0xc8: {  	[dreg:$0x1] =	wrdreg $0xFFFFFFFF  }
0xc9: {  	_ =	task.clear_ibuf [dreg:s8], $0x2FFFF;
	_ =	strace $0x9FFFFFFF  }
0xca: {  	(tm) =	ssettm $0x7FFFFFFF  }
0xcb: {  	_ =	shalt  }
tec
execute0_lowered:
.L_overlay_start_1:
0x0: {  	(tag) =	ssettag $0x1  }
0x1: {  	s7 =	rddreg [dreg:$0x0]  }
0x2: {  	s1 =	rddreg [dreg:$0x1];
	s0 =	stileid.u32  }
0x3: {  	s2 =	srdreg.scid;
	s5 =	rddreg [dreg:$0x2]  }
0x4: {  	s3 =	rddreg [dreg:$0x3];
	s4 =	simm.s32 $0x0;
	s13 =	simm.s32 $0x80  }
0x5: {  	s6 =	smul.u32 $0x14000, s0;
	s8 =	sand.u32 $0x1, s2;
	s2 =	rddreg [dreg:$0x4]  }
0x6: {  	s14 =	simm.s32 $0x0;
	[smem:$0x7FF] =	sst s4;
	s11 =	smul.u32 $0x50000, s0  }
0x7: {  	s31 =	sshll.u32 s0, $0x6;
	s9 =	smul.u32 $0x140000, s8;
	_ =	strace $0x80000047  }
0x8: {  	s26 =	ssub.s32 $0x2, s8;
	s8 =	sshll.u32 s8, $0x4;
	s10 =	sshrl.u32 s6, $0x3  }
0x9: {  	s28 =	sshrl.u32 s26, $0x1;
	s29 =	sor.u32 s0, s8;
	s30 =	sshrl.u32 s11, $0x2  }
0xa: {  	s6 =	sadd.s32 s6, s9;
	s25 =	sadd.s32 s10, s5;
	s10 =	ssub.s32 s26, s28  }
0xb: {  	s8 =	smul.u32 $0x280, s29;
	s11 =	sadd.s32 s30, s3;
	s6 =	sshrl.u32 s6, $0x3  }
0xc: {  	s9 =	smax.u32 s10, $0x1;
	s10 =	sshrl.u32 s11, $0x3;
	s11 =	simm.s32 $0x1  }
0xd: {  	s12 =	sadd.s32 s6, s5;
	s5 =	sadd.s32 $0x4400, s25;
	s6 =	sor.u32 $0x1C01, s31  }
0xe: {  	s7 =	sadd.s32 s7, s8;
	s8 =	sadd.s32 $0x2C400, s12;
	s12 =	simm.s32 $0x1400  }
.LBB2_1:
0xf: {  	[spmem:s10], [sflag:s6] =	dma.local [hbm:s5], $0x2800  }
0x10: {  	_ =	swait.ge [sflag:s11], $0x2800  }
0x11: {  	[sflag:s11] =	ssyncset.done $0x0  }
0x12: {  	[sflag:s11] =	ssyncadd.s32 $0xFFFFD800  }
0x13: {  	[tilespmem:s4], [sflag:$0x1] =	stream.linear.gather [hbm4b:s7+s4], $0x1400, $0x38;
	[tilespmem:$0x7C00] =	vst v63  }
0x14: {  	_ =	swait.ge [sflag:s11], $0x1400  }
0x15: {  	[sflag:s11] =	ssyncset.done $0x0  }
0x16: {  	[sflag:s11] =	ssyncadd.s32 $0xFFFFEC00  }
0x17: {  	[tilespmem:s12], [sflag:$0x1] =	stream.linear.gather [hbm4b:s1+s4], $0x4000, $0x38;
	[tilespmem:$0x7C00] =	vst v63  }
0x18: {  	_ =	swait.ge [sflag:s11], $0x4000  }
0x19: {  	[sflag:s11] =	ssyncset.done $0x0  }
0x1a: {  	[sflag:s11] =	ssyncadd.s32 $0xFFFFC000  }
0x1b: {  	s15 =	simm.s32 $0x0;
	[bflag:$0x0] =	sbarrier.arrive $0xFFFF  }
0x1c: {  	[spmem:s3] =	stream.indirect.scatter.add.f32 [tilespmem:s12], [sflag:$0x1], $0x10, s15, s13, $0xb8;
	[tilespmem:$0x7C00] =	vst v63  }
0x1d: {  	_ =	swait.ge [sflag:s11], $0x800  }
0x1e: {  	s15 =	simm.s32 $0x200;
	[sflag:s11] =	ssyncset.done $0x0  }
.LBB2_2:
0x1f: {  	s16 =	sshra.s32 s15, $0x2;
	[sflag:s11] =	ssyncadd.s32 $0xFFFFF800;
	p0 =	sne.s32 s15, $0x4E00  }
0x20: {  	[spmem:s3] =	stream.indirect.scatter.add.f32 [tilespmem:s12], [sflag:$0x1], $0x10, s16, s13, $0xb8;
	[tilespmem:$0x7C00] =	vst v63  }
.Ltmp0:
0x21: {  	_ = 	snop;
	(pc) =	sbr.rel @p0 .LBB2_2-.Ltmp0, $4  }
0x22: {  	_ = 	snop  }
0x23: {  	s15 =	sadd.s32 $0x200, s15  }
0x24: {  	_ =	swait.ge [sflag:s11], $0x800  }
0x25: {  	[sflag:s11] =	ssyncset.done $0x0  }
0x26: {  	s14 =	sadd.s32 $0x1, s14  }
0x27: {  	[sflag:s11] =	ssyncadd.s32 $0xFFFFF800;
	p0 =	sne.s32 s14, s9  }
.Ltmp1:
0x28: {  	[bflag:$0x0] =	sbarrier.arrive $0xFFFF;
	(pc) =	sbr.rel @p0 .LBB2_1-.Ltmp1, $4  }
0x29: {  	[hbm:s8], [sflag:s6] =	dma.local [spmem:s10], $0x2800  }
0x2a: {  	_ =	swait.ge [sflag:s11], $0x2800  }
0x2b: {  	[sflag:s11] =	ssyncset.done $0x0  }
0x2c: {  	[sflag:s11] =	ssyncadd.s32 $0xFFFFD800  }
0x2d: {  	_ =	sfence.sel $0x180000  }
0x2e: {  	[bflag:$0x0] =	sbarrier.arrive $0xFFFF  }
0x2f: {  	p0 =	sne.s32 s0, $0x0;
	_ =	strace $0x90000047  }
0x30: {  	s0 =	sadd.s32 @!p0 $0x100000, s2;
	[bflag:$0x2] =	sbarrier.arrive $0xFFFF  }
0x31: {  	[sflag:s0] =	ssyncadd.tile.s32 @!p0 $0x1;
	_ =	shalt  }
.Lfunc_end2:
_tile_overlayer_lowered:
.L_overlay_start_2:
0x32: {  	(tag) =	ssettag $0x2  }
0x33: {  	s0 =	rddreg [dreg:$0x0];
	s2 =	stileid.u32  }
0x34: {  	s1 =	rddreg [dreg:$0x1];
	p0 =	sne.s32 s2, $0x0  }
0x35: {  	s3 =	rddreg [dreg:$0x2];
	[bflag:$0x3] =	sbarrier.arrive $0xFFFF;
	s2 =	simm.s32 @!p0 $0x1C01  }
0x36: {  	[timem:s3], [sflag:s2] =	dma.local @!p0 [hbm:s0], s1  }
0x37: {  	s0 =	simm.s32 @!p0 $0x1  }
0x38: {  	_ =	swait.ge @!p0 [sflag:s0], s1  }
0x39: {  	s1 =	ssub.s32 @!p0 $0x0, s1;
	[sflag:s0] =	ssyncset.done @!p0 $0x0  }
0x3a: {  	[sflag:s0] =	ssyncadd.s32 @!p0 s1  }
0x3b: {  	[bflag:$0x3] =	sbarrier.arrive $0xFFFF  }
0x3c: {  	_ =	shalt  }

// kernel: kernel.13.cloned.1.call-start
scs
__scs_entry_jumppad:
0x0: {  	(pc) =	sbr.rel $0x88, $3  }
0x1: {  	(tag) =	ssettag $0x0;
	lr =	simm.s32 $0x1  }
0x2: {  	[smem:$0x3F90] =	sst lr;
	_ =	strace $0xD0000000  }
0x3: {  	_ = 	snop  }
0x4: {  	_ = 	snop  }
0x5: {  	_ = 	snop  }
0x6: {  	_ = 	snop  }
0x7: {  	_ = 	snop  }
__scs_overlays_trampoline_lowered:
0x8: {  	[smem:$0x3F9F] =	sst s0  }
0x9: {  	[smem:$0x3FA0] =	sst s1  }
0xa: {  	[smem:$0x3FA1] =	sst s2  }
0xb: {  	[smem:$0x3FA2] =	sst s3  }
0xc: {  	[smem:$0x3FA3] =	sst s4  }
0xd: {  	[smem:$0x3FA4] =	sst s5  }
0xe: {  	[smem:$0x3FA5] =	sst s6  }
0xf: {  	[smem:$0x3FA6] =	sst s7  }
0x10: {  	[smem:$0x3FA7] =	sst s8  }
0x11: {  	[smem:$0x3FA8] =	sst s9;
	s0 =	simm.s32 @!p0 $0x0  }
0x12: {  	s1 =	sld [smem:$0x3F8E];
	s0 =	simm.s32 @p0 $0x1  }
0x13: {  	[smem:$0x3FA9] =	sst s0;
	s0 =	simm.s32 @!p1 $0x0  }
0x14: {  	s2 =	sld [smem:$0x3F8D];
	s0 =	simm.s32 @p1 $0x1  }
0x15: {  	[smem:$0x3FAA] =	sst s0;
	s0 =	simm.s32 @!p2 $0x0  }
0x16: {  	s3 =	sld [smem:$0x3FDB];
	s0 =	simm.s32 @p2 $0x1  }
0x17: {  	s4 =	simm.s32 $0x1BF5;
	[smem:$0x3FAC] =	sst s0  }
0x18: {  	s0 =	sld [smem:$0x3F8F];
	_ =	swait.ge [sflag:s4], $0x0  }
0x19: {  	s7 =	sld [smem:$0x3F90]  }
0x1a: {  	s8 =	sadd.s32 $0xFFFFE003, lr  }
0x1b: {  	s9 =	sadd.s32 $0xFFFFFEF7, lr;
	s5 =	simm.s32 $0xFFFFFFFF;
	p2 =	slt.u32 s8, $0xFFFFF086  }
0x1c: {  	p1 =	slt.u32 s9, $0xF7A;
	s5 =	simm.s32 @!p2 $0x0  }
0x1d: {  	s5 =	simm.s32 @p1 $0x1;
	p0 =	seq.s32 s7, s2  }
0x1e: {  	s7 =	smul.u32 @!p0 $0xF7A, s2;
	p2 =	seq.s32 @!p0 s5, $0x0  }
0x1f: {  	s9 =	smul.u32 $0xF7A, s1;
	s8 =	simm.s32 @!p0 $0x1BF5;
	p2 =	por !p2, p0  }
0x20: {  	[sflag:s8] =	ssyncset.s32 @!p0 $0xFFFFF086;
	s6 =	sadd.s32 @!p0 s3, s7;
	s7 =	simm.s32 @!p0 $0x108  }
0x21: {  	s3 =	sadd.s32 s3, s9;
	s6 =	sadd.s32 @!p0 $0x88, s6;
	s7 =	simm.s32 @p2 $0x1082  }
0x22: {  	[simem:s7], [sflag:s8] =	dma.local @!p0 [hbm:s6], $0xF7A  }
0x23: {  	s9 =	sor.u32 $0xD0000000, s2;
	s6 =	simm.s32 $0x108;
	_ =	swait.ge @!p0 [sflag:s8], $0x0  }
0x24: {  	s3 =	sadd.s32 $0x88, s3;
	s6 =	simm.s32 @!p1 $0x1082;
	[sflag:s4] =	ssyncset.s32 $0xFFFFF086  }
0x25: {  	[simem:s6], [sflag:s4] =	dma.local [hbm:s3], $0xF7A  }
0x26: {  	[smem:$0x3F90] =	sst s1;
	(tag) =	ssettag s2;
	_ =	strace s9  }
0x27: {  	s1 =	sld [smem:$0x3FA0]  }
0x28: {  	s2 =	sld [smem:$0x3FA1]  }
0x29: {  	s4 =	sld [smem:$0x3FA3]  }
0x2a: {  	p0 =	seq.s32 s5, $0x0;
	s5 =	sld [smem:$0x3FA4]  }
0x2b: {  	s6 =	sld [smem:$0x3FA5]  }
0x2c: {  	s7 =	sld [smem:$0x3FA6]  }
0x2d: {  	s3 =	simm.s32 $0x108;
	s8 =	sld [smem:$0x3FA7]  }
0x2e: {  	s3 =	simm.s32 @!p0 $0x1082;
	s9 =	sld [smem:$0x3FA8]  }
0x2f: {  	lr =	sadd.s32 s0, s3;
	s0 =	sld [smem:$0x3F9F]  }
0x30: {  	s3 =	sld [smem:$0x3FA2]  }
0x31: {  	[smem:$0x3FAB] =	sst s10  }
0x32: {  	s10 =	sld [smem:$0x3FA9];
	_ =	sdelay $0x3  }
0x33: {  	p0 =	seq.s32 s10, $0x1;
	s10 =	sld [smem:$0x3FAB];
	_ =	sdelay $0x3  }
0x34: {  	[smem:$0x3FAB] =	sst s10  }
0x35: {  	s10 =	sld [smem:$0x3FAA];
	_ =	sdelay $0x3  }
0x36: {  	p1 =	seq.s32 s10, $0x1;
	s10 =	sld [smem:$0x3FAB];
	_ =	sdelay $0x3  }
0x37: {  	[smem:$0x3FAB] =	sst s10  }
0x38: {  	s10 =	sld [smem:$0x3FAC]  }
0x39: {  	_ = 	snop;
	(pc) =	sbr.ind lr, $3  }
0x3a: {  	_ = 	snop  }
0x3b: {  	_ = 	snop  }
0x3c: {  	p2 =	seq.s32 s10, $0x1;
	s10 =	sld [smem:$0x3FAB]  }
0x3d: {  	_ =	shalt  }
0x3e: {  	_ =	shalt  }
0x3f: {  	_ =	shalt  }
0x40: {  	_ =	shalt  }
0x41: {  	_ =	shalt  }
0x42: {  	_ =	shalt  }
0x43: {  	_ =	shalt  }
0x44: {  	_ =	shalt  }
0x45: {  	_ =	shalt  }
0x46: {  	_ =	shalt  }
0x47: {  	_ =	shalt  }
0x48: {  	_ =	shalt  }
0x49: {  	_ =	shalt  }
0x4a: {  	_ =	shalt  }
0x4b: {  	_ =	shalt  }
0x4c: {  	_ =	shalt  }
0x4d: {  	_ =	shalt  }
0x4e: {  	_ =	shalt  }
0x4f: {  	_ =	shalt  }
0x50: {  	_ =	shalt  }
0x51: {  	_ =	shalt  }
0x52: {  	_ =	shalt  }
0x53: {  	_ =	shalt  }
0x54: {  	_ =	shalt  }
0x55: {  	_ =	shalt  }
0x56: {  	_ =	shalt  }
0x57: {  	_ =	shalt  }
0x58: {  	_ =	shalt  }
0x59: {  	_ =	shalt  }
0x5a: {  	_ =	shalt  }
0x5b: {  	_ =	shalt  }
0x5c: {  	_ =	shalt  }
0x5d: {  	_ =	shalt  }
0x5e: {  	_ =	shalt  }
0x5f: {  	_ =	shalt  }
0x60: {  	_ =	shalt  }
0x61: {  	_ =	shalt  }
0x62: {  	_ =	shalt  }
0x63: {  	_ =	shalt  }
0x64: {  	_ =	shalt  }
0x65: {  	_ =	shalt  }
0x66: {  	_ =	shalt  }
0x67: {  	_ =	shalt  }
0x68: {  	_ =	shalt  }
0x69: {  	_ =	shalt  }
0x6a: {  	_ =	shalt  }
0x6b: {  	_ =	shalt  }
0x6c: {  	_ =	shalt  }
0x6d: {  	_ =	shalt  }
0x6e: {  	_ =	shalt  }
0x6f: {  	_ =	shalt  }
0x70: {  	_ =	shalt  }
0x71: {  	_ =	shalt  }
0x72: {  	_ =	shalt  }
0x73: {  	_ =	shalt  }
0x74: {  	_ =	shalt  }
0x75: {  	_ =	shalt  }
0x76: {  	_ =	shalt  }
0x77: {  	_ =	shalt  }
0x78: {  	_ =	shalt  }
0x79: {  	_ =	shalt  }
0x7a: {  	_ =	shalt  }
0x7b: {  	_ =	shalt  }
0x7c: {  	_ =	shalt  }
0x7d: {  	_ =	shalt  }
0x7e: {  	_ =	shalt  }
0x7f: {  	_ =	shalt  }
0x80: {  	_ =	shalt  }
0x81: {  	_ =	shalt  }
0x82: {  	_ =	shalt  }
0x83: {  	_ =	shalt  }
0x84: {  	_ =	shalt  }
0x85: {  	_ =	shalt  }
0x86: {  	_ =	shalt  }
0x87: {  	_ =	shalt  }
.Lfunc_end0:
.L_simem_size_0:
called_computation.1_lowered:
.L_overlay_start_0:
0x88: {  	s2 =	sld [smem:$0x3FD9]  }
0x89: {  	s3 =	sld [smem:$0x3FFE];
	_ =	sdelay $0x1  }
0x8a: {  	s1 =	srdreg.scid  }
0x8b: {  	s0 =	sand.u32 $0x1, s1  }
0x8c: {  	s14 =	sshll.u32 s0, $0xA;
	s2 =	sadd.s32 s3, s2  }
0x8d: {  	s2 =	sadd.s32 s2, s14  }
0x8e: {  	[smem:$0x3FB7] =	sst s2  }
0x8f: {  	_ = 	snop  }
0x90: {  	s2 =	sld [smem:$0x3FD0];
	_ =	sdelay $0x2  }
0x91: {  	s15 =	simm.s32 $0xA;
	s4 =	simm.s32 $0x10  }
0x92: {  	[smem:s4], [sflag:s15] =	dma.local [hbm:s2], $0x1  }
0x93: {  	_ =	swait.eq [sflag:s15], $0x1  }
0x94: {  	[sflag:s15] =	ssyncset.done $0x0  }
0x95: {  	s16 =	sld [smem:$0x11];
	[sflag:s15] =	ssyncadd.s32 $0xFFFFFFFF  }
0x96: {  	s17 =	sld [smem:$0x12];
	(tm) =	ssettm $0x1  }
0x97: {  	s18 =	sld [smem:$0x3FFB];
	_ =	sdelay $0x3  }
0x98: {  	_ =	strace s18  }
0x99: {  	s4 =	sld [smem:$0x3FFC];
	_ =	sdelay $0x3  }
0x9a: {  	_ =	strace s4  }
0x9b: {  	s4 =	sld [smem:$0x3FFD];
	_ =	sdelay $0x3  }
0x9c: {  	_ =	strace s4  }
0x9d: {  	_ =	strace $0x8FFFFFFF  }
0x9e: {  	s19 =	sld [smem:$0x3FDB];
	_ =	sdelay $0x1  }
0x9f: {  	s5 =	simm.s32 $_scs_section_size  }
0xa0: {  	s6 =	simm.s32 $_size__tile_overlayer_lowered;
	s7 =	simm.s32 $_tile_overlayer_lowered  }
0xa1: {  	s22 =	simm.s32 $0x1BFF;
	s21 =	sshll.u32 s7, $0x1;
	s4 =	sadd.s32 s5, s19  }
0xa2: {  	s8 =	simm.s32 $0x0;
	s20 =	sshll.u32 s6, $0x1;
	s6 =	sadd.s32 s21, s4  }
0xa3: {  	[timem:s8], [sflag:s22] =	dma.local [hbm:s6], s20  }
0xa4: {  	_ =	swait.ge [sflag:s22], s20  }
0xa5: {  	s5 =	ssub.s32 $0x0, s20;
	[sflag:s22] =	ssyncset.done $0x0  }
0xa6: {  	[sflag:s22] =	ssyncadd.s32 s5;
	_ =	sdelay $0x1  }
0xa7: {  	s23 =	simm.s32 $0x1B8B  }
0xa8: {  	_ =	swait.ge [sflag:s23], $0x1  }
0xa9: {  	[sflag:s23] =	ssyncset.done $0x0  }
0xaa: {  	s25 =	simm.s32 $0x1B8E;
	s24 =	sld [smem:$0x3FFE];
	[sflag:s23] =	ssyncadd.s32 $0xFFFFFFFF  }
0xab: {  	s26 =	simm.s32 $execute0_lowered;
	[smem:$0x3FD2] =	sst s25  }
0xac: {  	s6 =	sshll.u32 s26, $0x1;
	_ =	strace $0x80000049;
	[dreg:$0x1] =	wrdreg $0xFFFFFFFF  }
0xad: {  	s28 =	simm.s32 $_size_execute0_lowered;
	s4 =	sadd.s32 s4, s6;
	[dreg:$0x0] =	wrdreg $0x0  }
0xae: {  	s6 =	sshll.u32 s28, $0x1;
	[dreg:$0x2] =	wrdreg s4  }
0xaf: {  	[dreg:$0x3] =	wrdreg s6  }
0xb0: {  	[dreg:$0x4] =	wrdreg $0xC0  }
0xb1: {  	_ =	task [dreg:s8], $0x5FFFF  }
0xb2: {  	[dreg:$0x1] =	wrdreg $0xFFFFFFFF  }
0xb3: {  	[dreg:$0x0] =	wrdreg $0x60  }
0xb4: {  	[dreg:$0x2] =	wrdreg s24  }
0xb5: {  	[dreg:$0x3] =	wrdreg s17  }
0xb6: {  	[dreg:$0x4] =	wrdreg s16  }
0xb7: {  	[dreg:$0x5] =	wrdreg $0x78000  }
0xb8: {  	[dreg:$0x6] =	wrdreg $0x9  }
0xb9: {  	_ =	task.clear_ibuf [dreg:s8], $0x7FFFF;
	_ =	strace $0x90000049  }
0xba: {  	s29 =	simm.s32 $0x9;
	_ =	strace $0x8000004B  }
0xbb: {  	_ =	swait.ge [sflag:s29], $0x1  }
0xbc: {  	[sflag:s29] =	ssyncadd.s32 $0xFFFFFFFF  }
0xbd: {  	_ =	strace $0x9000004B  }
0xbe: {  	_ =	sfence  }
0xbf: {  	s30 =	sld [smem:$0x0];
	_ =	sdelay $0x2  }
0xc0: {  	s31 =	sshll.u32 s1, $0xD;
	s1 =	sshrl.u32 s1, $0x2  }
0xc1: {  	s3 =	sand.u32 $0x4000, s31;
	s1 =	sadd.s32 s1, s30  }
0xc2: {  	s0 =	sor.u32 s3, s0;
	s1 =	sshll.u32 s1, $0x11  }
0xc3: {  	s0 =	sor.u32 s1, s0  }
0xc4: {  	s0 =	sadd.s32 $0x8F2B, s0  }
0xc5: {  	[sflag:s0] =	ssyncadd.remote.s32 $0x1  }
0xc6: {  	_ =	sfence.sel $0xFFFF  }
0xc7: {  	[dreg:$0x0] =	wrdreg $0xFFFFFFFF;
	(pc) =	sbr.abs _section_cstart, $3  }
0xc8: {  	[dreg:$0x1] =	wrdreg $0xFFFFFFFF  }
0xc9: {  	_ =	task.clear_ibuf [dreg:s8], $0x2FFFF;
	_ =	strace $0x9FFFFFFF  }
0xca: {  	(tm) =	ssettm $0x7FFFFFFF  }
0xcb: {  	_ =	shalt  }
tec
execute0_lowered:
.L_overlay_start_1:
0x0: {  	(tag) =	ssettag $0x1  }
0x1: {  	s5 =	rddreg [dreg:$0x0]  }
0x2: {  	s7 =	rddreg [dreg:$0x1]  }
0x3: {  	s8 =	rddreg [dreg:$0x2]  }
0x4: {  	s2 =	rddreg [dreg:$0x3];
	s0 =	stileid.u32  }
0x5: {  	s4 =	srdreg.scid;
	s1 =	rddreg [dreg:$0x4]  }
0x6: {  	s3 =	simm.s32 $0x0;
	s16 =	simm.s32 $0x1;
	s6 =	smul.u32 $0x14000, s0  }
0x7: {  	s17 =	simm.s32 $0x0;
	s9 =	sand.u32 $0x1, s4;
	s12 =	smul.u32 $0x50000, s0  }
0x8: {  	[smem:$0x7FF] =	sst s3;
	s4 =	sadd.s32 $0x4400, s5;
	s14 =	smul.u32 $0x18, s0  }
0x9: {  	s31 =	sshll.u32 s0, $0x6;
	s11 =	smul.u32 $0x140000, s9;
	_ =	strace $0x8000004A  }
0xa: {  	s29 =	ssub.s32 $0x2, s9;
	p0 =	seq.s32 s9, $0x0;
	s10 =	sshrl.u32 s6, $0x3  }
0xb: {  	s13 =	sshrl.u32 s29, $0x1;
	s30 =	sshrl.u32 s12, $0x2;
	s6 =	sadd.s32 s6, s11  }
0xc: {  	s9 =	sadd.s32 $0x380, s14;
	s14 =	simm.s32 $0x80;
	s6 =	sshrl.u32 s6, $0x3  }
0xd: {  	s10 =	sadd.s32 s10, s5;
	s15 =	sadd.s32 s6, s5;
	s5 =	smul.u32 $0x38, s0  }
0xe: {  	s11 =	ssub.s32 s29, s13;
	s12 =	sadd.s32 s30, s2;
	s13 =	simm.s32 $0x2  }
0xf: {  	s11 =	smax.u32 s11, $0x1;
	s12 =	sshrl.u32 s12, $0x3;
	s9 =	smov.u32 @p0 s5  }
0x10: {  	s6 =	sor.u32 $0x1C02, s31;
	s5 =	sadd.s32 $0x7C400, s10;
	s9 =	sshll.u32 s9, $0x4  }
0x11: {  	s7 =	sadd.s32 s7, s9;
	s8 =	sadd.s32 s8, s9;
	s9 =	simm.s32 $0x38  }
0x12: {  	s10 =	sadd.s32 $0xA4400, s15;
	s15 =	simm.s32 $0x3800;
	s9 =	simm.s32 @!p0 $0x18  }
.LBB2_1:
0x13: {  	[spmem:s12], [sflag:s6] =	dma.local [hbm:s5], $0x2800  }
0x14: {  	_ =	swait.ge [sflag:s13], $0x2800  }
0x15: {  	[sflag:s13] =	ssyncset.done $0x0  }
0x16: {  	[sflag:s13] =	ssyncadd.s32 $0xFFFFD800  }
0x17: {  	[tilespmem:s3], [sflag:$0x2] =	stream.linear.gather [hbm4b:s7+s3], $0x1C00, $0x38;
	[tilespmem:$0x1B800] =	vst v63  }
0x18: {  	_ =	swait.ge [sflag:s13], $0x1C00  }
0x19: {  	[sflag:s13] =	ssyncset.done $0x0  }
0x1a: {  	s18 =	simm.s32 $0x1C00;
	[sflag:s13] =	ssyncadd.s32 $0xFFFFE400  }
0x1b: {  	[tilespmem:s18], [sflag:$0x2] =	stream.linear.gather [hbm4b:s8+s3], $0x1C00, $0x38;
	[tilespmem:$0x1B800] =	vst v63  }
0x1c: {  	_ =	swait.ge [sflag:s13], $0x1C00  }
0x1d: {  	[sflag:s13] =	ssyncset.done $0x0  }
0x1e: {  	[sflag:s13] =	ssyncadd.s32 $0xFFFFE400  }
0x1f: {  	[bflag:$0x0] =	sbarrier.arrive $0xFFFF  }
0x20: {  	[tilespmem:s15], [sflag:$0x1] =	stream.indirect.gather [hbm4b:s4+s14], $0x80, s3, s14, $0xb8;
	[tilespmem:$0x1B800] =	vst v63  }
0x21: {  	p0 =	sne.s32 s9, $0x1;
	_ =	swait.ge [sflag:s16], $0x4000  }
.Ltmp0:
0x22: {  	[sflag:s16] =	ssyncset.done $0x0;
	(pc) =	sbr.rel @!p0 .LBB2_3-.Ltmp0, $4  }
0x23: {  	[sflag:s16] =	ssyncadd.s32 $0xFFFFC000  }
0x24: {  	[spmem:s2] =	stream.indirect.scatter.add.f32 [tilespmem:s15], [sflag:$0x2], $0x80, s18, s14, $0xb8;
	[tilespmem:$0x1B800] =	vst v63  }
0x25: {  	_ =	swait.ge [sflag:s13], $0x4000  }
0x26: {  	s19 =	sadd.s32 $0xFFFFFFFF, s9;
	s20 =	simm.s32 $0x0;
	[sflag:s13] =	ssyncset.done $0x0  }
.LBB2_2:
0x27: {  	[sflag:s13] =	ssyncadd.s32 $0xFFFFC000;
	s20 =	sadd.s32 $0x80, s20;
	s18 =	sadd.s32 $0x80, s18  }
0x28: {  	[tilespmem:s15], [sflag:$0x1] =	stream.indirect.gather [hbm4b:s4+s14], $0x80, s20, s14, $0xb8;
	[tilespmem:$0x1B800] =	vst v63  }
0x29: {  	p0 =	sne.s32 s19, $0x1;
	s19 =	sadd.s32 $0xFFFFFFFF, s19;
	_ =	swait.ge [sflag:s16], $0x4000  }
.Ltmp1:
0x2a: {  	[sflag:s16] =	ssyncset.done $0x0;
	(pc) =	sbr.rel @p0 .LBB2_2-.Ltmp1, $4  }
0x2b: {  	[sflag:s16] =	ssyncadd.s32 $0xFFFFC000  }
0x2c: {  	[spmem:s2] =	stream.indirect.scatter.add.f32 [tilespmem:s15], [sflag:$0x2], $0x80, s18, s14, $0xb8;
	[tilespmem:$0x1B800] =	vst v63  }
0x2d: {  	_ =	swait.ge [sflag:s13], $0x4000  }
0x2e: {  	[sflag:s13] =	ssyncset.done $0x0  }
.LBB2_3:
0x2f: {  	s17 =	sadd.s32 $0x1, s17  }
0x30: {  	[sflag:s13] =	ssyncadd.s32 $0xFFFFC000;
	p0 =	sne.s32 s17, s11  }
.Ltmp2:
0x31: {  	[bflag:$0x0] =	sbarrier.arrive $0xFFFF;
	(pc) =	sbr.rel @p0 .LBB2_1-.Ltmp2, $4  }
0x32: {  	[hbm:s10], [sflag:s6] =	dma.local [spmem:s12], $0x2800  }
0x33: {  	_ =	swait.ge [sflag:s13], $0x2800  }
0x34: {  	[sflag:s13] =	ssyncset.done $0x0  }
0x35: {  	[sflag:s13] =	ssyncadd.s32 $0xFFFFD800  }
0x36: {  	_ =	sfence.sel $0x180000  }
0x37: {  	[bflag:$0x0] =	sbarrier.arrive $0xFFFF  }
0x38: {  	p0 =	sne.s32 s0, $0x0;
	_ =	strace $0x9000004A  }
0x39: {  	s0 =	sadd.s32 @!p0 $0x100000, s1;
	[bflag:$0x2] =	sbarrier.arrive $0xFFFF  }
0x3a: {  	[sflag:s0] =	ssyncadd.tile.s32 @!p0 $0x1;
	_ =	shalt  }
.Lfunc_end2:
_tile_overlayer_lowered:
.L_overlay_start_2:
0x3b: {  	(tag) =	ssettag $0x2  }
0x3c: {  	s0 =	rddreg [dreg:$0x0];
	s2 =	stileid.u32  }
0x3d: {  	s1 =	rddreg [dreg:$0x1];
	p0 =	sne.s32 s2, $0x0  }
0x3e: {  	s3 =	rddreg [dreg:$0x2];
	[bflag:$0x3] =	sbarrier.arrive $0xFFFF;
	s2 =	simm.s32 @!p0 $0x1C02  }
0x3f: {  	[timem:s3], [sflag:s2] =	dma.local @!p0 [hbm:s0], s1  }
0x40: {  	s0 =	simm.s32 @!p0 $0x2  }
0x41: {  	_ =	swait.ge @!p0 [sflag:s0], s1  }
0x42: {  	s1 =	ssub.s32 @!p0 $0x0, s1;
	[sflag:s0] =	ssyncset.done @!p0 $0x0  }
0x43: {  	[sflag:s0] =	ssyncadd.s32 @!p0 s1  }
0x44: {  	[bflag:$0x3] =	sbarrier.arrive $0xFFFF  }
0x45: {  	_ =	shalt  }

// kernel: kernel.16.cloned.1.call-start
scs
__scs_entry_jumppad:
0x0: {  	(pc) =	sbr.rel $0x88, $3  }
0x1: {  	(tag) =	ssettag $0x0;
	lr =	simm.s32 $0x1  }
0x2: {  	[smem:$0x3F90] =	sst lr;
	_ =	strace $0xD0000000  }
0x3: {  	_ = 	snop  }
0x4: {  	_ = 	snop  }
0x5: {  	_ = 	snop  }
0x6: {  	_ = 	snop  }
0x7: {  	_ = 	snop  }
__scs_overlays_trampoline_lowered:
0x8: {  	[smem:$0x3F9F] =	sst s0  }
0x9: {  	[smem:$0x3FA0] =	sst s1  }
0xa: {  	[smem:$0x3FA1] =	sst s2  }
0xb: {  	[smem:$0x3FA2] =	sst s3  }
0xc: {  	[smem:$0x3FA3] =	sst s4  }
0xd: {  	[smem:$0x3FA4] =	sst s5  }
0xe: {  	[smem:$0x3FA5] =	sst s6  }
0xf: {  	[smem:$0x3FA6] =	sst s7  }
0x10: {  	[smem:$0x3FA7] =	sst s8  }
0x11: {  	[smem:$0x3FA8] =	sst s9;
	s0 =	simm.s32 @!p0 $0x0  }
0x12: {  	s1 =	sld [smem:$0x3F8E];
	s0 =	simm.s32 @p0 $0x1  }
0x13: {  	[smem:$0x3FA9] =	sst s0;
	s0 =	simm.s32 @!p1 $0x0  }
0x14: {  	s2 =	sld [smem:$0x3F8D];
	s0 =	simm.s32 @p1 $0x1  }
0x15: {  	[smem:$0x3FAA] =	sst s0;
	s0 =	simm.s32 @!p2 $0x0  }
0x16: {  	s3 =	sld [smem:$0x3FDB];
	s0 =	simm.s32 @p2 $0x1  }
0x17: {  	s4 =	simm.s32 $0x1BF5;
	[smem:$0x3FAC] =	sst s0  }
0x18: {  	s0 =	sld [smem:$0x3F8F];
	_ =	swait.ge [sflag:s4], $0x0  }
0x19: {  	s7 =	sld [smem:$0x3F90]  }
0x1a: {  	s8 =	sadd.s32 $0xFFFFE003, lr  }
0x1b: {  	s9 =	sadd.s32 $0xFFFFFEF7, lr;
	s5 =	simm.s32 $0xFFFFFFFF;
	p2 =	slt.u32 s8, $0xFFFFF086  }
0x1c: {  	p1 =	slt.u32 s9, $0xF7A;
	s5 =	simm.s32 @!p2 $0x0  }
0x1d: {  	s5 =	simm.s32 @p1 $0x1;
	p0 =	seq.s32 s7, s2  }
0x1e: {  	s7 =	smul.u32 @!p0 $0xF7A, s2;
	p2 =	seq.s32 @!p0 s5, $0x0  }
0x1f: {  	s9 =	smul.u32 $0xF7A, s1;
	s8 =	simm.s32 @!p0 $0x1BF5;
	p2 =	por !p2, p0  }
0x20: {  	[sflag:s8] =	ssyncset.s32 @!p0 $0xFFFFF086;
	s6 =	sadd.s32 @!p0 s3, s7;
	s7 =	simm.s32 @!p0 $0x108  }
0x21: {  	s3 =	sadd.s32 s3, s9;
	s6 =	sadd.s32 @!p0 $0x88, s6;
	s7 =	simm.s32 @p2 $0x1082  }
0x22: {  	[simem:s7], [sflag:s8] =	dma.local @!p0 [hbm:s6], $0xF7A  }
0x23: {  	s9 =	sor.u32 $0xD0000000, s2;
	s6 =	simm.s32 $0x108;
	_ =	swait.ge @!p0 [sflag:s8], $0x0  }
0x24: {  	s3 =	sadd.s32 $0x88, s3;
	s6 =	simm.s32 @!p1 $0x1082;
	[sflag:s4] =	ssyncset.s32 $0xFFFFF086  }
0x25: {  	[simem:s6], [sflag:s4] =	dma.local [hbm:s3], $0xF7A  }
0x26: {  	[smem:$0x3F90] =	sst s1;
	(tag) =	ssettag s2;
	_ =	strace s9  }
0x27: {  	s1 =	sld [smem:$0x3FA0]  }
0x28: {  	s2 =	sld [smem:$0x3FA1]  }
0x29: {  	s4 =	sld [smem:$0x3FA3]  }
0x2a: {  	p0 =	seq.s32 s5, $0x0;
	s5 =	sld [smem:$0x3FA4]  }
0x2b: {  	s6 =	sld [smem:$0x3FA5]  }
0x2c: {  	s7 =	sld [smem:$0x3FA6]  }
0x2d: {  	s3 =	simm.s32 $0x108;
	s8 =	sld [smem:$0x3FA7]  }
0x2e: {  	s3 =	simm.s32 @!p0 $0x1082;
	s9 =	sld [smem:$0x3FA8]  }
0x2f: {  	lr =	sadd.s32 s0, s3;
	s0 =	sld [smem:$0x3F9F]  }
0x30: {  	s3 =	sld [smem:$0x3FA2]  }
0x31: {  	[smem:$0x3FAB] =	sst s10  }
0x32: {  	s10 =	sld [smem:$0x3FA9];
	_ =	sdelay $0x3  }
0x33: {  	p0 =	seq.s32 s10, $0x1;
	s10 =	sld [smem:$0x3FAB];
	_ =	sdelay $0x3  }
0x34: {  	[smem:$0x3FAB] =	sst s10  }
0x35: {  	s10 =	sld [smem:$0x3FAA];
	_ =	sdelay $0x3  }
0x36: {  	p1 =	seq.s32 s10, $0x1;
	s10 =	sld [smem:$0x3FAB];
	_ =	sdelay $0x3  }
0x37: {  	[smem:$0x3FAB] =	sst s10  }
0x38: {  	s10 =	sld [smem:$0x3FAC]  }
0x39: {  	_ = 	snop;
	(pc) =	sbr.ind lr, $3  }
0x3a: {  	_ = 	snop  }
0x3b: {  	_ = 	snop  }
0x3c: {  	p2 =	seq.s32 s10, $0x1;
	s10 =	sld [smem:$0x3FAB]  }
0x3d: {  	_ =	shalt  }
0x3e: {  	_ =	shalt  }
0x3f: {  	_ =	shalt  }
0x40: {  	_ =	shalt  }
0x41: {  	_ =	shalt  }
0x42: {  	_ =	shalt  }
0x43: {  	_ =	shalt  }
0x44: {  	_ =	shalt  }
0x45: {  	_ =	shalt  }
0x46: {  	_ =	shalt  }
0x47: {  	_ =	shalt  }
0x48: {  	_ =	shalt  }
0x49: {  	_ =	shalt  }
0x4a: {  	_ =	shalt  }
0x4b: {  	_ =	shalt  }
0x4c: {  	_ =	shalt  }
0x4d: {  	_ =	shalt  }
0x4e: {  	_ =	shalt  }
0x4f: {  	_ =	shalt  }
0x50: {  	_ =	shalt  }
0x51: {  	_ =	shalt  }
0x52: {  	_ =	shalt  }
0x53: {  	_ =	shalt  }
0x54: {  	_ =	shalt  }
0x55: {  	_ =	shalt  }
0x56: {  	_ =	shalt  }
0x57: {  	_ =	shalt  }
0x58: {  	_ =	shalt  }
0x59: {  	_ =	shalt  }
0x5a: {  	_ =	shalt  }
0x5b: {  	_ =	shalt  }
0x5c: {  	_ =	shalt  }
0x5d: {  	_ =	shalt  }
0x5e: {  	_ =	shalt  }
0x5f: {  	_ =	shalt  }
0x60: {  	_ =	shalt  }
0x61: {  	_ =	shalt  }
0x62: {  	_ =	shalt  }
0x63: {  	_ =	shalt  }
0x64: {  	_ =	shalt  }
0x65: {  	_ =	shalt  }
0x66: {  	_ =	shalt  }
0x67: {  	_ =	shalt  }
0x68: {  	_ =	shalt  }
0x69: {  	_ =	shalt  }
0x6a: {  	_ =	shalt  }
0x6b: {  	_ =	shalt  }
0x6c: {  	_ =	shalt  }
0x6d: {  	_ =	shalt  }
0x6e: {  	_ =	shalt  }
0x6f: {  	_ =	shalt  }
0x70: {  	_ =	shalt  }
0x71: {  	_ =	shalt  }
0x72: {  	_ =	shalt  }
0x73: {  	_ =	shalt  }
0x74: {  	_ =	shalt  }
0x75: {  	_ =	shalt  }
0x76: {  	_ =	shalt  }
0x77: {  	_ =	shalt  }
0x78: {  	_ =	shalt  }
0x79: {  	_ =	shalt  }
0x7a: {  	_ =	shalt  }
0x7b: {  	_ =	shalt  }
0x7c: {  	_ =	shalt  }
0x7d: {  	_ =	shalt  }
0x7e: {  	_ =	shalt  }
0x7f: {  	_ =	shalt  }
0x80: {  	_ =	shalt  }
0x81: {  	_ =	shalt  }
0x82: {  	_ =	shalt  }
0x83: {  	_ =	shalt  }
0x84: {  	_ =	shalt  }
0x85: {  	_ =	shalt  }
0x86: {  	_ =	shalt  }
0x87: {  	_ =	shalt  }
.Lfunc_end0:
.L_simem_size_0:
called_computation.2_lowered:
.L_overlay_start_0:
0x88: {  	s2 =	sld [smem:$0x3FD9]  }
0x89: {  	s3 =	sld [smem:$0x3FFE];
	_ =	sdelay $0x1  }
0x8a: {  	s1 =	srdreg.scid  }
0x8b: {  	s0 =	sand.u32 $0x1, s1  }
0x8c: {  	s14 =	sshll.u32 s0, $0xA;
	s2 =	sadd.s32 s3, s2  }
0x8d: {  	s2 =	sadd.s32 s2, s14  }
0x8e: {  	[smem:$0x3FB7] =	sst s2  }
0x8f: {  	_ = 	snop  }
0x90: {  	s2 =	sld [smem:$0x3FD0];
	_ =	sdelay $0x2  }
0x91: {  	s15 =	simm.s32 $0xA;
	s4 =	simm.s32 $0x10  }
0x92: {  	[smem:s4], [sflag:s15] =	dma.local [hbm:s2], $0x1  }
0x93: {  	_ =	swait.eq [sflag:s15], $0x1  }
0x94: {  	[sflag:s15] =	ssyncset.done $0x0  }
0x95: {  	s16 =	sld [smem:$0x11];
	[sflag:s15] =	ssyncadd.s32 $0xFFFFFFFF  }
0x96: {  	s17 =	sld [smem:$0x12];
	(tm) =	ssettm $0x1  }
0x97: {  	s18 =	sld [smem:$0x3FFB];
	_ =	sdelay $0x3  }
0x98: {  	_ =	strace s18  }
0x99: {  	s4 =	sld [smem:$0x3FFC];
	_ =	sdelay $0x3  }
0x9a: {  	_ =	strace s4  }
0x9b: {  	s4 =	sld [smem:$0x3FFD];
	_ =	sdelay $0x3  }
0x9c: {  	_ =	strace s4  }
0x9d: {  	_ =	strace $0x8FFFFFFF  }
0x9e: {  	s19 =	sld [smem:$0x3FDB];
	_ =	sdelay $0x1  }
0x9f: {  	s5 =	simm.s32 $_scs_section_size  }
0xa0: {  	s6 =	simm.s32 $_size__tile_overlayer_lowered;
	s7 =	simm.s32 $_tile_overlayer_lowered  }
0xa1: {  	s22 =	simm.s32 $0x1BFF;
	s21 =	sshll.u32 s7, $0x1;
	s4 =	sadd.s32 s5, s19  }
0xa2: {  	s8 =	simm.s32 $0x0;
	s20 =	sshll.u32 s6, $0x1;
	s6 =	sadd.s32 s21, s4  }
0xa3: {  	[timem:s8], [sflag:s22] =	dma.local [hbm:s6], s20  }
0xa4: {  	_ =	swait.ge [sflag:s22], s20  }
0xa5: {  	s5 =	ssub.s32 $0x0, s20;
	[sflag:s22] =	ssyncset.done $0x0  }
0xa6: {  	[sflag:s22] =	ssyncadd.s32 s5;
	_ =	sdelay $0x1  }
0xa7: {  	s23 =	simm.s32 $0x1B8B  }
0xa8: {  	_ =	swait.ge [sflag:s23], $0x1  }
0xa9: {  	[sflag:s23] =	ssyncset.done $0x0  }
0xaa: {  	s25 =	simm.s32 $0x1B8E;
	s24 =	sld [smem:$0x3FFE];
	[sflag:s23] =	ssyncadd.s32 $0xFFFFFFFF  }
0xab: {  	s26 =	simm.s32 $execute0_lowered;
	[smem:$0x3FD2] =	sst s25  }
0xac: {  	s6 =	sshll.u32 s26, $0x1;
	_ =	strace $0x8000004C;
	[dreg:$0x1] =	wrdreg $0xFFFFFFFF  }
0xad: {  	s28 =	simm.s32 $_size_execute0_lowered;
	s4 =	sadd.s32 s4, s6;
	[dreg:$0x0] =	wrdreg $0x0  }
0xae: {  	s6 =	sshll.u32 s28, $0x1;
	[dreg:$0x2] =	wrdreg s4  }
0xaf: {  	[dreg:$0x3] =	wrdreg s6  }
0xb0: {  	[dreg:$0x4] =	wrdreg $0xC0  }
0xb1: {  	_ =	task [dreg:s8], $0x5FFFF  }
0xb2: {  	[dreg:$0x1] =	wrdreg $0xFFFFFFFF  }
0xb3: {  	[dreg:$0x0] =	wrdreg $0x60  }
0xb4: {  	[dreg:$0x2] =	wrdreg s24  }
0xb5: {  	[dreg:$0x3] =	wrdreg s17  }
0xb6: {  	[dreg:$0x4] =	wrdreg s16  }
0xb7: {  	[dreg:$0x5] =	wrdreg $0x78000  }
0xb8: {  	[dreg:$0x6] =	wrdreg $0x9  }
0xb9: {  	_ =	task.clear_ibuf [dreg:s8], $0x7FFFF;
	_ =	strace $0x9000004C  }
0xba: {  	s29 =	simm.s32 $0x9;
	_ =	strace $0x8000004E  }
0xbb: {  	_ =	swait.ge [sflag:s29], $0x1  }
0xbc: {  	[sflag:s29] =	ssyncadd.s32 $0xFFFFFFFF  }
0xbd: {  	_ =	strace $0x9000004E  }
0xbe: {  	_ =	sfence  }
0xbf: {  	s30 =	sld [smem:$0x0];
	_ =	sdelay $0x2  }
0xc0: {  	s31 =	sshll.u32 s1, $0xD;
	s1 =	sshrl.u32 s1, $0x2  }
0xc1: {  	s3 =	sand.u32 $0x4000, s31;
	s1 =	sadd.s32 s1, s30  }
0xc2: {  	s0 =	sor.u32 s3, s0;
	s1 =	sshll.u32 s1, $0x11  }
0xc3: {  	s0 =	sor.u32 s1, s0  }
0xc4: {  	s0 =	sadd.s32 $0x8F2B, s0  }
0xc5: {  	[sflag:s0] =	ssyncadd.remote.s32 $0x1  }
0xc6: {  	_ =	sfence.sel $0xFFFF  }
0xc7: {  	[dreg:$0x0] =	wrdreg $0xFFFFFFFF;
	(pc) =	sbr.abs _section_cstart, $3  }
0xc8: {  	[dreg:$0x1] =	wrdreg $0xFFFFFFFF  }
0xc9: {  	_ =	task.clear_ibuf [dreg:s8], $0x2FFFF;
	_ =	strace $0x9FFFFFFF  }
0xca: {  	(tm) =	ssettm $0x7FFFFFFF  }
0xcb: {  	_ =	shalt  }
tec
execute0_lowered:
.L_overlay_start_1:
0x0: {  	(tag) =	ssettag $0x1  }
0x1: {  	s5 =	rddreg [dreg:$0x0]  }
0x2: {  	s7 =	rddreg [dreg:$0x1]  }
0x3: {  	s8 =	rddreg [dreg:$0x2]  }
0x4: {  	s2 =	rddreg [dreg:$0x3];
	s0 =	stileid.u32  }
0x5: {  	s4 =	srdreg.scid;
	s1 =	rddreg [dreg:$0x4]  }
0x6: {  	s3 =	simm.s32 $0x0;
	s16 =	simm.s32 $0x1;
	s6 =	smul.u32 $0x14000, s0  }
0x7: {  	s17 =	simm.s32 $0x0;
	s9 =	sand.u32 $0x1, s4;
	s12 =	smul.u32 $0x50000, s0  }
0x8: {  	[smem:$0x7FF] =	sst s3;
	s4 =	sadd.s32 $0x4400, s5;
	s14 =	smul.u32 $0x18, s0  }
0x9: {  	s31 =	sshll.u32 s0, $0x6;
	s11 =	smul.u32 $0x140000, s9;
	_ =	strace $0x8000004D  }
0xa: {  	s29 =	ssub.s32 $0x2, s9;
	p0 =	seq.s32 s9, $0x0;
	s10 =	sshrl.u32 s6, $0x3  }
0xb: {  	s13 =	sshrl.u32 s29, $0x1;
	s30 =	sshrl.u32 s12, $0x2;
	s6 =	sadd.s32 s6, s11  }
0xc: {  	s9 =	sadd.s32 $0x380, s14;
	s14 =	simm.s32 $0x80;
	s6 =	sshrl.u32 s6, $0x3  }
0xd: {  	s10 =	sadd.s32 s10, s5;
	s15 =	sadd.s32 s6, s5;
	s5 =	smul.u32 $0x38, s0  }
0xe: {  	s11 =	ssub.s32 s29, s13;
	s12 =	sadd.s32 s30, s2;
	s13 =	simm.s32 $0x2  }
0xf: {  	s11 =	smax.u32 s11, $0x1;
	s12 =	sshrl.u32 s12, $0x3;
	s9 =	smov.u32 @p0 s5  }
0x10: {  	s6 =	sor.u32 $0x1C02, s31;
	s5 =	sadd.s32 $0x7C400, s10;
	s9 =	sshll.u32 s9, $0x4  }
0x11: {  	s7 =	sadd.s32 s7, s9;
	s8 =	sadd.s32 s8, s9;
	s9 =	simm.s32 $0x38  }
0x12: {  	s10 =	sadd.s32 $0xA4400, s15;
	s15 =	simm.s32 $0x3800;
	s9 =	simm.s32 @!p0 $0x18  }
.LBB2_1:
0x13: {  	[spmem:s12], [sflag:s6] =	dma.local [hbm:s5], $0x2800  }
0x14: {  	_ =	swait.ge [sflag:s13], $0x2800  }
0x15: {  	[sflag:s13] =	ssyncset.done $0x0  }
0x16: {  	[sflag:s13] =	ssyncadd.s32 $0xFFFFD800  }
0x17: {  	[tilespmem:s3], [sflag:$0x2] =	stream.linear.gather [hbm4b:s7+s3], $0x1C00, $0x38;
	[tilespmem:$0x1B800] =	vst v63  }
0x18: {  	_ =	swait.ge [sflag:s13], $0x1C00  }
0x19: {  	[sflag:s13] =	ssyncset.done $0x0  }
0x1a: {  	s18 =	simm.s32 $0x1C00;
	[sflag:s13] =	ssyncadd.s32 $0xFFFFE400  }
0x1b: {  	[tilespmem:s18], [sflag:$0x2] =	stream.linear.gather [hbm4b:s8+s3], $0x1C00, $0x38;
	[tilespmem:$0x1B800] =	vst v63  }
0x1c: {  	_ =	swait.ge [sflag:s13], $0x1C00  }
0x1d: {  	[sflag:s13] =	ssyncset.done $0x0  }
0x1e: {  	[sflag:s13] =	ssyncadd.s32 $0xFFFFE400  }
0x1f: {  	[bflag:$0x0] =	sbarrier.arrive $0xFFFF  }
0x20: {  	[tilespmem:s15], [sflag:$0x1] =	stream.indirect.gather [hbm4b:s4+s14], $0x80, s3, s14, $0xb8;
	[tilespmem:$0x1B800] =	vst v63  }
0x21: {  	p0 =	sne.s32 s9, $0x1;
	_ =	swait.ge [sflag:s16], $0x4000  }
.Ltmp0:
0x22: {  	[sflag:s16] =	ssyncset.done $0x0;
	(pc) =	sbr.rel @!p0 .LBB2_3-.Ltmp0, $4  }
0x23: {  	[sflag:s16] =	ssyncadd.s32 $0xFFFFC000  }
0x24: {  	[spmem:s2] =	stream.indirect.scatter.add.f32 [tilespmem:s15], [sflag:$0x2], $0x80, s18, s14, $0xb8;
	[tilespmem:$0x1B800] =	vst v63  }
0x25: {  	_ =	swait.ge [sflag:s13], $0x4000  }
0x26: {  	s19 =	sadd.s32 $0xFFFFFFFF, s9;
	s20 =	simm.s32 $0x0;
	[sflag:s13] =	ssyncset.done $0x0  }
.LBB2_2:
0x27: {  	[sflag:s13] =	ssyncadd.s32 $0xFFFFC000;
	s20 =	sadd.s32 $0x80, s20;
	s18 =	sadd.s32 $0x80, s18  }
0x28: {  	[tilespmem:s15], [sflag:$0x1] =	stream.indirect.gather [hbm4b:s4+s14], $0x80, s20, s14, $0xb8;
	[tilespmem:$0x1B800] =	vst v63  }
0x29: {  	p0 =	sne.s32 s19, $0x1;
	s19 =	sadd.s32 $0xFFFFFFFF, s19;
	_ =	swait.ge [sflag:s16], $0x4000  }
.Ltmp1:
0x2a: {  	[sflag:s16] =	ssyncset.done $0x0;
	(pc) =	sbr.rel @p0 .LBB2_2-.Ltmp1, $4  }
0x2b: {  	[sflag:s16] =	ssyncadd.s32 $0xFFFFC000  }
0x2c: {  	[spmem:s2] =	stream.indirect.scatter.add.f32 [tilespmem:s15], [sflag:$0x2], $0x80, s18, s14, $0xb8;
	[tilespmem:$0x1B800] =	vst v63  }
0x2d: {  	_ =	swait.ge [sflag:s13], $0x4000  }
0x2e: {  	[sflag:s13] =	ssyncset.done $0x0  }
.LBB2_3:
0x2f: {  	s17 =	sadd.s32 $0x1, s17  }
0x30: {  	[sflag:s13] =	ssyncadd.s32 $0xFFFFC000;
	p0 =	sne.s32 s17, s11  }
.Ltmp2:
0x31: {  	[bflag:$0x0] =	sbarrier.arrive $0xFFFF;
	(pc) =	sbr.rel @p0 .LBB2_1-.Ltmp2, $4  }
0x32: {  	[hbm:s10], [sflag:s6] =	dma.local [spmem:s12], $0x2800  }
0x33: {  	_ =	swait.ge [sflag:s13], $0x2800  }
0x34: {  	[sflag:s13] =	ssyncset.done $0x0  }
0x35: {  	[sflag:s13] =	ssyncadd.s32 $0xFFFFD800  }
0x36: {  	_ =	sfence.sel $0x180000  }
0x37: {  	[bflag:$0x0] =	sbarrier.arrive $0xFFFF  }
0x38: {  	p0 =	sne.s32 s0, $0x0;
	_ =	strace $0x9000004D  }
0x39: {  	s0 =	sadd.s32 @!p0 $0x100000, s1;
	[bflag:$0x2] =	sbarrier.arrive $0xFFFF  }
0x3a: {  	[sflag:s0] =	ssyncadd.tile.s32 @!p0 $0x1;
	_ =	shalt  }
.Lfunc_end2:
_tile_overlayer_lowered:
.L_overlay_start_2:
0x3b: {  	(tag) =	ssettag $0x2  }
0x3c: {  	s0 =	rddreg [dreg:$0x0];
	s2 =	stileid.u32  }
0x3d: {  	s1 =	rddreg [dreg:$0x1];
	p0 =	sne.s32 s2, $0x0  }
0x3e: {  	s3 =	rddreg [dreg:$0x2];
	[bflag:$0x3] =	sbarrier.arrive $0xFFFF;
	s2 =	simm.s32 @!p0 $0x1C02  }
0x3f: {  	[timem:s3], [sflag:s2] =	dma.local @!p0 [hbm:s0], s1  }
0x40: {  	s0 =	simm.s32 @!p0 $0x2  }
0x41: {  	_ =	swait.ge @!p0 [sflag:s0], s1  }
0x42: {  	s1 =	ssub.s32 @!p0 $0x0, s1;
	[sflag:s0] =	ssyncset.done @!p0 $0x0  }
0x43: {  	[sflag:s0] =	ssyncadd.s32 @!p0 s1  }
0x44: {  	[bflag:$0x3] =	sbarrier.arrive $0xFFFF  }
0x45: {  	_ =	shalt  }

</sc_bundles>
